<compile_context>
chip_gen: v7x
topology: tpu7x:2x2x1
jax: 0.10.2.dev20260603
libtpu: 0.0.44.dev20260713+nightly
codegen_flags: <defaults>
</compile_context>

<pallas_src>
import functools

import jax
import jax.numpy as jnp
from jax import lax
from jax.experimental import pallas as pl
from jax.experimental.pallas import tpu as pltpu
from jax.experimental.pallas import tpu_sc as plsc

N = 10000
E = 320000
DIN = 128
DH = 256
NC, NS = 2, 16
NW = NC * NS
EPT = 10240
K = 128
NV = 10016
NA = 10240
BLK = 2000

_mesh = plsc.VectorSubcoreMesh(core_axis_name="c", subcore_axis_name="s")


@functools.partial(
    pl.kernel,
    out_type=jax.ShapeDtypeStruct((NC, NA, 16), jnp.float32),
    mesh=_mesh,
    scratch_types=[
        pltpu.VMEM_SHARED((NA, 16), jnp.float32),
        pltpu.VMEM((1, K), jnp.int32),
        pltpu.VMEM((K, 16), jnp.float32),
        pltpu.VMEM((64, 16), jnp.float32),
    ],
)
def _hist_kernel(edges_hbm, out_hbm, hist_sp, idx_v, ones_v, zbuf_v):
    c = lax.axis_index("c")
    s = lax.axis_index("s")

    @pl.loop(0, 64)
    def _(r):
        zbuf_v[r] = jnp.zeros((16,), jnp.float32)

    @pl.loop(0, K)
    def _(r):
        ones_v[r] = jnp.full((16,), 1.0, jnp.float32)

    @pl.loop(0, 10)
    def _(j):
        pltpu.sync_copy(zbuf_v, hist_sp.at[pl.ds(s * 640 + j * 64, 64)])

    plsc.subcore_barrier()

    base = (c * NS + s) * EPT

    @pl.loop(0, EPT // K)
    def _(j):
        pltpu.sync_copy(edges_hbm.at[0, 1, pl.ds(base + j * K, K)], idx_v.at[0])
        pltpu.sync_copy(ones_v, hist_sp.at[idx_v.at[0]], add=True)

    plsc.subcore_barrier()
    pltpu.sync_copy(
        hist_sp.at[pl.ds(s * 640, 640)], out_hbm.at[c, pl.ds(s * 640, 640)]
    )


def _make_agg(table_rows, split_edges):
    nch = (EPT if split_edges else 2 * EPT) // K

    @functools.partial(
        pl.kernel,
        out_type=jax.ShapeDtypeStruct((NC, NA, DIN), jnp.float32),
        mesh=_mesh,
        scratch_types=[
            pltpu.VMEM_SHARED((NA, DIN), jnp.float32),
            pltpu.VMEM((2, K), jnp.int32),
            pltpu.VMEM((K, DIN), jnp.float32),
            pltpu.VMEM((64, DIN), jnp.float32),
            pltpu.SemaphoreType.DMA,
        ],
    )
    def agg(table_hbm, edges_hbm, out_hbm, acc_sp, eidx_v, rows_v, zbuf_v, sem):
        c = lax.axis_index("c")
        s = lax.axis_index("s")

        @pl.loop(0, 64)
        def _(r):
            for kk in range(DIN // 16):
                zbuf_v[r, pl.ds(kk * 16, 16)] = jnp.zeros((16,), jnp.float32)

        @pl.loop(0, 10)
        def _(j):
            pltpu.sync_copy(zbuf_v, acc_sp.at[pl.ds(s * 640 + j * 64, 64)])

        plsc.subcore_barrier()

        if split_edges:
            ebase = (c * NS + s) * EPT
            vrow = 0
        else:
            ebase = s * (2 * EPT)
            vrow = c

        @pl.loop(0, nch)
        def _(j):
            base = ebase + j * K
            pltpu.sync_copy(edges_hbm.at[vrow, :, pl.ds(base, K)], eidx_v)
            pltpu.async_copy(table_hbm.at[eidx_v.at[0]], rows_v, sem).wait()
            pltpu.sync_copy(rows_v, acc_sp.at[eidx_v.at[1]], add=True)

        plsc.subcore_barrier()
        pltpu.sync_copy(
            acc_sp.at[pl.ds(s * 640, 640)], out_hbm.at[c, pl.ds(s * 640, 640)]
        )

    return agg


_agg_l1 = _make_agg(NV, split_edges=True)
_agg_l2 = _make_agg(2 * NV, split_edges=False)


def _dis_from_hist(hist_blk):
    deg = hist_blk[0, :, 0:1] + hist_blk[1, :, 0:1] + 1.0
    return lax.rsqrt(deg)


def _scale_body(hist_ref, x_ref, xs_ref):
    dis = _dis_from_hist(hist_ref[...])
    xs_ref[...] = x_ref[...] * dis


_scale_call = pl.pallas_call(
    _scale_body,
    grid=(N // BLK,),
    in_specs=[
        pl.BlockSpec((NC, BLK, 16), lambda i: (0, i, 0)),
        pl.BlockSpec((BLK, DIN), lambda i: (i, 0)),
    ],
    out_specs=pl.BlockSpec((BLK, DIN), lambda i: (i, 0)),
    out_shape=jax.ShapeDtypeStruct((NV, DIN), jnp.float32),
)


def _l1_body(part_ref, xs1_ref, hist_ref, w1_ref, b1_ref, xs2_ref):
    dis = _dis_from_hist(hist_ref[...])
    z = (part_ref[0] + part_ref[1] + xs1_ref[...]) * dis
    h = jnp.dot(
        z, w1_ref[...],
        precision=lax.Precision.HIGHEST,
        preferred_element_type=jnp.float32,
    )
    h = jnp.maximum(h + b1_ref[...], 0.0) * dis
    xs2_ref[0] = h[:, :DIN]
    xs2_ref[1] = h[:, DIN:]


_l1_call = pl.pallas_call(
    _l1_body,
    grid=(N // BLK,),
    in_specs=[
        pl.BlockSpec((NC, BLK, DIN), lambda i: (0, i, 0)),
        pl.BlockSpec((BLK, DIN), lambda i: (i, 0)),
        pl.BlockSpec((NC, BLK, 16), lambda i: (0, i, 0)),
        pl.BlockSpec((DIN, DH), lambda i: (0, 0)),
        pl.BlockSpec((1, DH), lambda i: (0, 0)),
    ],
    out_specs=pl.BlockSpec((2, BLK, DIN), lambda i: (0, i, 0)),
    out_shape=jax.ShapeDtypeStruct((2, NV, DIN), jnp.float32),
)


def _l2_body(acc_ref, xs2_ref, hist_ref, w2_ref, b2_ref, wl_ref, bl_ref,
             out_ref, csum_ref):
    i = pl.program_id(0)
    dis = _dis_from_hist(hist_ref[...])
    z = (acc_ref[...] + xs2_ref[...]) * dis[None]
    zf = jnp.concatenate([z[0], z[1]], axis=1)
    h = jnp.dot(
        zf, w2_ref[...],
        precision=lax.Precision.HIGHEST,
        preferred_element_type=jnp.float32,
    )
    h = jnp.maximum(h + b2_ref[...], 0.0)
    ps = jnp.sum(h, axis=0, keepdims=True)

    @pl.when(i == 0)
    def _():
        csum_ref[...] = ps

    @pl.when(i != 0)
    def _():
        csum_ref[...] = csum_ref[...] + ps

    @pl.when(i == N // BLK - 1)
    def _():
        m = csum_ref[...] * (1.0 / N)
        out_ref[...] = jnp.dot(
            m, wl_ref[...],
            precision=lax.Precision.HIGHEST,
            preferred_element_type=jnp.float32,
        ) + bl_ref[...]


def _l2_call(acc2, xs2, hist, W2, b2, Wl, bl):
    nout = Wl.shape[1]
    return pl.pallas_call(
        _l2_body,
        grid=(N // BLK,),
        in_specs=[
            pl.BlockSpec((NC, BLK, DIN), lambda i: (0, i, 0)),
            pl.BlockSpec((NC, BLK, DIN), lambda i: (0, i, 0)),
            pl.BlockSpec((NC, BLK, 16), lambda i: (0, i, 0)),
            pl.BlockSpec((DH, DH), lambda i: (0, 0)),
            pl.BlockSpec((1, DH), lambda i: (0, 0)),
            pl.BlockSpec((DH, nout), lambda i: (0, 0)),
            pl.BlockSpec((1, nout), lambda i: (0, 0)),
        ],
        out_specs=pl.BlockSpec((1, nout), lambda i: (0, 0)),
        out_shape=jax.ShapeDtypeStruct((1, nout), jnp.float32),
        scratch_shapes=[pltpu.VMEM((1, DH), jnp.float32)],
    )(acc2, xs2, hist, W2, b2, Wl, bl)


def kernel(x, edge_index, W1, b1, W2, b2, Wl, bl):
    src = edge_index[0].astype(jnp.int32)
    dst = edge_index[1].astype(jnp.int32)

    npad = EPT - E // NW
    padv = N + (jnp.arange(npad, dtype=jnp.int32) % 16)
    padm = jnp.broadcast_to(padv, (NW, npad))
    srcp = jnp.concatenate([src.reshape(NW, E // NW), padm], 1).reshape(-1)
    dstp = jnp.concatenate([dst.reshape(NW, E // NW), padm], 1).reshape(-1)
    edges = jnp.stack(
        [jnp.stack([srcp, dstp]), jnp.stack([srcp + NV, dstp])]
    )

    hist = _hist_kernel(edges)
    xs1 = _scale_call(hist, x)
    part1 = _agg_l1(xs1, edges)
    xs2 = _l1_call(part1, xs1, hist, W1, b1.reshape(1, DH))
    acc2 = _agg_l2(xs2.reshape(2 * NV, DIN), edges)
    out = _l2_call(acc2, xs2, hist, W2,
                   b2.reshape(1, DH), Wl, bl.reshape(1, -1))
    return out.reshape(-1)

# --- scband reference (transcript-rebuilt; emitter-appended) ---
"""Pipeline reference for scband-gcnmodel-47399259079115 (READ-ONLY COPY).

The authoritative reference and input builder live on the scoring server;
editing this copy changes nothing except your own understanding.
"""

import jax, jax.numpy as jnp
import numpy as np


def gcn_conv(x, W, b, edge_index):
    n = x.shape[0]
    src = edge_index[0]
    dst = edge_index[1]
    loop = jnp.arange(n, dtype=src.dtype)
    src = jnp.concatenate([src, loop])
    dst = jnp.concatenate([dst, loop])
    deg = jnp.zeros((n,), dtype=x.dtype).at[dst].add(1.0)
    deg_inv_sqrt = jnp.where(deg > 0, deg ** -0.5, 0.0)
    norm = deg_inv_sqrt[src] * deg_inv_sqrt[dst]
    h = x @ W
    msg = h[src] * norm[:, None]
    out = jnp.zeros((n, W.shape[1]), dtype=x.dtype).at[dst].add(msg)
    return out + b


def setup_inputs(seed: int = 0) -> dict:
    key = jax.random.key(seed)
    ks = jax.random.split(key, 8)
    n_nodes, n_edges = 10000, 320000
    input_dim, hidden_dim, output_dim = 128, 256, 7
    x = jax.random.normal(ks[0], (n_nodes, input_dim), dtype=jnp.float32)
    edge_index = jax.random.randint(ks[1], (2, n_edges), 0, n_nodes, dtype=jnp.int64)
    W1 = jax.random.normal(ks[2], (input_dim, hidden_dim), dtype=jnp.float32) * (1.0 / np.sqrt(input_dim))
    b1 = jnp.zeros((hidden_dim,), dtype=jnp.float32)
    W2 = jax.random.normal(ks[3], (hidden_dim, hidden_dim), dtype=jnp.float32) * (1.0 / np.sqrt(hidden_dim))
    b2 = jnp.zeros((hidden_dim,), dtype=jnp.float32)
    Wl = jax.random.normal(ks[4], (hidden_dim, output_dim), dtype=jnp.float32) * (1.0 / np.sqrt(hidden_dim))
    bl = jnp.zeros((output_dim,), dtype=jnp.float32)
    return {"x": x, "edge_index": edge_index, "W1": W1, "b1": b1, "W2": W2, "b2": b2, "Wl": Wl, "bl": bl}


def reference(x, edge_index, W1, b1, W2, b2, Wl, bl):
    h = jax.nn.relu(gcn_conv(x, W1, b1, edge_index))
    h = jax.nn.relu(gcn_conv(h, W2, b2, edge_index))
    h = jnp.mean(h, axis=0)
    out = h @ Wl + bl
    return out

if __name__ == "__main__":
    import jax
    _d = setup_inputs()
    print(jax.jit(kernel)(*tuple(_d.values())))

</pallas_src>

<mosaic_0001>
#map = affine_map<(d0, d1) -> (0, 0, 0)>
module attributes {stable_mosaic.version = 14 : i64} {
  func.func @_hist_kernel(%arg0: i32, %arg1: i32, %arg2: memref<2x2x327680xi32, #tpu.memory_space<hbm>>, %arg3: memref<2x10240x16xf32, #tpu.memory_space<hbm>>, %arg4: memref<10240x16xf32, #tpu.memory_space<vmem_shared>>, %arg5: memref<1x128xi32, #tpu.memory_space<vmem>>, %arg6: memref<128x16xf32, #tpu.memory_space<vmem>>, %arg7: memref<64x16xf32, #tpu.memory_space<vmem>>) attributes {dimension_semantics = [#tpu.dimension_semantics<core_parallel>, #tpu.dimension_semantics<subcore_parallel>], iteration_bounds = array<i64: 2, 16>, scalar_prefetch = 0 : i64, scratch_operands = 4 : i64, tpu.core_type = #tpu.core_type<sc_vector_subcore>, window_params = [{transform_indices = #map}, {transform_indices = #map}]} {
    %scan3A = arith.constant 0 : i32
    %scan3A_0 = arith.constant 64 : i32
    %scan3A_1 = arith.addi %scan3A, %scan3A_0 : i32
    %scan3A_2 = arith.constant 1 : i32
    scf.for %scan3A_27 = %scan3A to %scan3A_1 step %scan3A_2  : i32 {
      %mul3A_28 = arith.constant 1 : i32
      %mul3A_29 = arith.muli %scan3A_27, %mul3A_28 : i32
      %add3A_30 = arith.constant 0 : i32
      %add3A_31 = arith.addi %add3A_30, %mul3A_29 : i32
      %broadcast_in_dim3A = arith.constant 0.000000e+00 : f32
      %broadcast_in_dim3A_32 = vector.broadcast %broadcast_in_dim3A : f32 to vector<16xf32>
      %swap3A = arith.index_cast %add3A_31 : i32 to index
      %swap3A_33 = arith.constant 0 : index
      %swap3A_34 = tpu.vector_load %arg7[%swap3A, %swap3A_33] {strides = array<i32>} : memref<64x16xf32, #tpu.memory_space<vmem>>, vector<1x16xf32>,
      %swap3A_35 = vector.shape_cast %swap3A_34 : vector<1x16xf32> to vector<16xf32>
      %swap3A_36 = vector.shape_cast %broadcast_in_dim3A_32 : vector<16xf32> to vector<1x16xf32>
      tpu.vector_store %arg7[%swap3A, %swap3A_33], %swap3A_36 {strides = array<i32>} : memref<64x16xf32, #tpu.memory_space<vmem>>, vector<1x16xf32>,
    }
    %scan3A_3 = arith.constant 64 : i32
    %scan3A_4 = arith.constant 0 : i32
    %scan3A_5 = arith.constant 128 : i32
    %scan3A_6 = arith.addi %scan3A_4, %scan3A_5 : i32
    %scan3A_7 = arith.constant 1 : i32
    scf.for %scan3A_27 = %scan3A_4 to %scan3A_6 step %scan3A_7  : i32 {
      %mul3A_28 = arith.constant 1 : i32
      %mul3A_29 = arith.muli %scan3A_27, %mul3A_28 : i32
      %add3A_30 = arith.constant 0 : i32
      %add3A_31 = arith.addi %add3A_30, %mul3A_29 : i32
      %broadcast_in_dim3A = arith.constant 1.000000e+00 : f32
      %broadcast_in_dim3A_32 = vector.broadcast %broadcast_in_dim3A : f32 to vector<16xf32>
      %swap3A = arith.index_cast %add3A_31 : i32 to index
      %swap3A_33 = arith.constant 0 : index
      %swap3A_34 = tpu.vector_load %arg6[%swap3A, %swap3A_33] {strides = array<i32>} : memref<128x16xf32, #tpu.memory_space<vmem>>, vector<1x16xf32>,
      %swap3A_35 = vector.shape_cast %swap3A_34 : vector<1x16xf32> to vector<16xf32>
      %swap3A_36 = vector.shape_cast %broadcast_in_dim3A_32 : vector<16xf32> to vector<1x16xf32>
      tpu.vector_store %arg6[%swap3A, %swap3A_33], %swap3A_36 {strides = array<i32>} : memref<128x16xf32, #tpu.memory_space<vmem>>, vector<1x16xf32>,
    }
    %scan3A_8 = arith.constant 128 : i32
    %scan3A_9 = arith.constant 0 : i32
    %scan3A_10 = arith.constant 10 : i32
    %scan3A_11 = arith.addi %scan3A_9, %scan3A_10 : i32
    %scan3A_12 = arith.constant 1 : i32
    scf.for %scan3A_27 = %scan3A_9 to %scan3A_11 step %scan3A_12  : i32 {
      %mul3A_28 = arith.constant 1 : i32
      %mul3A_29 = arith.muli %scan3A_27, %mul3A_28 : i32
      %add3A_30 = arith.constant 0 : i32
      %add3A_31 = arith.addi %add3A_30, %mul3A_29 : i32
      %mul3A_32 = arith.constant 640 : i32
      %mul3A_33 = arith.muli %arg1, %mul3A_32 : i32
      %mul3A_34 = arith.constant 64 : i32
      %mul3A_35 = arith.muli %add3A_31, %mul3A_34 : i32
      %add3A_36 = arith.addi %mul3A_33, %mul3A_35 : i32
      "tpu.region"() ({
        %run_scoped3A = tpu.sem_alloc : memref<!tpu.dma_semaphore, #tpu.memory_space<semaphore_mem>>
        %dma_start3A = arith.constant 0 : i32
        %dma_start3A_37 = tpu.memref_slice %arg4[%add3A_36, %dma_start3A] : memref<10240x16xf32, #tpu.memory_space<vmem_shared>> -> memref<64x16xf32, #tpu.memory_space<vmem_shared>>
        %dma_start3A_38 = arith.constant 0 : i32
        %dma_start3A_39 = tpu.memref_slice %arg4[%add3A_36, %dma_start3A_38] : memref<10240x16xf32, #tpu.memory_space<vmem_shared>> -> memref<64x16xf32, #tpu.memory_space<vmem_shared>>
        tpu.enqueue_dma source(%arg7 : memref<64x16xf32, #tpu.memory_space<vmem>>) target(%dma_start3A_39 : memref<64x16xf32, #tpu.memory_space<vmem_shared>>) target_semaphore(%run_scoped3A : memref<!tpu.dma_semaphore, #tpu.memory_space<semaphore_mem>>)
        %dma_wait3A = arith.constant 0 : i32
        %dma_wait3A_40 = tpu.memref_slice %arg4[%add3A_36, %dma_wait3A] : memref<10240x16xf32, #tpu.memory_space<vmem_shared>> -> memref<64x16xf32, #tpu.memory_space<vmem_shared>>
        %dma_wait3A_41 = arith.constant 0 : i32
        %dma_wait3A_42 = tpu.memref_slice %arg4[%add3A_36, %dma_wait3A_41] : memref<10240x16xf32, #tpu.memory_space<vmem_shared>> -> memref<64x16xf32, #tpu.memory_space<vmem_shared>>
        tpu.wait_dma2 semaphore(%run_scoped3A : memref<!tpu.dma_semaphore, #tpu.memory_space<semaphore_mem>>) src(%arg7 : memref<64x16xf32, #tpu.memory_space<vmem>>) dst(%dma_wait3A_42 : memref<64x16xf32, #tpu.memory_space<vmem_shared>>)
        tpu.yield
      }) : () -> ()
    }
    %scan3A_13 = arith.constant 10 : i32
    %barrier3A = arith.constant 0 : index
    tpu.barrier barrier_id(%barrier3A)
    %mul3A = arith.constant 16 : i32
    %mul3A_14 = arith.muli %arg0, %mul3A : i32
    %add3A = arith.addi %mul3A_14, %arg1 : i32
    %mul3A_15 = arith.constant 10240 : i32
    %mul3A_16 = arith.muli %add3A, %mul3A_15 : i32
    %scan3A_17 = arith.constant 0 : i32
    %scan3A_18 = arith.constant 80 : i32
    %scan3A_19 = arith.addi %scan3A_17, %scan3A_18 : i32
    %scan3A_20 = arith.constant 1 : i32
    scf.for %scan3A_27 = %scan3A_17 to %scan3A_19 step %scan3A_20  : i32 {
      %mul3A_28 = arith.constant 1 : i32
      %mul3A_29 = arith.muli %scan3A_27, %mul3A_28 : i32
      %add3A_30 = arith.constant 0 : i32
      %add3A_31 = arith.addi %add3A_30, %mul3A_29 : i32
      %mul3A_32 = arith.constant 128 : i32
      %mul3A_33 = arith.muli %add3A_31, %mul3A_32 : i32
      %add3A_34 = arith.addi %mul3A_16, %mul3A_33 : i32
      %run_scoped3A = arith.constant 0 : i32
      %run_scoped3A_35 = arith.constant 1 : i32
      %run_scoped3A_36 = arith.constant 0 : i32
      "tpu.region"() ({
        %run_scoped3A_38 = tpu.sem_alloc : memref<!tpu.dma_semaphore, #tpu.memory_space<semaphore_mem>>
        %dma_start3A = arith.constant 0 : i32
        %dma_start3A_39 = tpu.memref_slice %arg5[%run_scoped3A_36, %dma_start3A] : memref<1x128xi32, #tpu.memory_space<vmem>> -> memref<1x128xi32, #tpu.memory_space<vmem>>
        %dma_start3A_40 = tpu.memref_squeeze %dma_start3A_39 : memref<1x128xi32, #tpu.memory_space<vmem>> -> memref<128xi32, #tpu.memory_space<vmem>>
        %dma_start3A_41 = tpu.memref_slice %arg2[%run_scoped3A, %run_scoped3A_35, %add3A_34] : memref<2x2x327680xi32, #tpu.memory_space<hbm>> -> memref<1x1x128xi32, #tpu.memory_space<hbm>>
        %dma_start3A_42 = tpu.memref_squeeze %dma_start3A_41 : memref<1x1x128xi32, #tpu.memory_space<hbm>> -> memref<128xi32, #tpu.memory_space<hbm>>
        %dma_start3A_43 = arith.constant 0 : i32
        %dma_start3A_44 = tpu.memref_slice %arg5[%run_scoped3A_36, %dma_start3A_43] : memref<1x128xi32, #tpu.memory_space<vmem>> -> memref<1x128xi32, #tpu.memory_space<vmem>>
        %dma_start3A_45 = tpu.memref_squeeze %dma_start3A_44 : memref<1x128xi32, #tpu.memory_space<vmem>> -> memref<128xi32, #tpu.memory_space<vmem>>
        %dma_start3A_46 = tpu.memref_slice %arg2[%run_scoped3A, %run_scoped3A_35, %add3A_34] : memref<2x2x327680xi32, #tpu.memory_space<hbm>> -> memref<1x1x128xi32, #tpu.memory_space<hbm>>
        %dma_start3A_47 = tpu.memref_squeeze %dma_start3A_46 : memref<1x1x128xi32, #tpu.memory_space<hbm>> -> memref<128xi32, #tpu.memory_space<hbm>>
        tpu.enqueue_dma source(%dma_start3A_47 : memref<128xi32, #tpu.memory_space<hbm>>) target(%dma_start3A_45 : memref<128xi32, #tpu.memory_space<vmem>>) target_semaphore(%run_scoped3A_38 : memref<!tpu.dma_semaphore, #tpu.memory_space<semaphore_mem>>)
        %dma_wait3A = arith.constant 0 : i32
        %dma_wait3A_48 = tpu.memref_slice %arg5[%run_scoped3A_36, %dma_wait3A] : memref<1x128xi32, #tpu.memory_space<vmem>> -> memref<1x128xi32, #tpu.memory_space<vmem>>
        %dma_wait3A_49 = tpu.memref_squeeze %dma_wait3A_48 : memref<1x128xi32, #tpu.memory_space<vmem>> -> memref<128xi32, #tpu.memory_space<vmem>>
        %dma_wait3A_50 = tpu.memref_slice %arg2[%run_scoped3A, %run_scoped3A_35, %add3A_34] : memref<2x2x327680xi32, #tpu.memory_space<hbm>> -> memref<1x1x128xi32, #tpu.memory_space<hbm>>
        %dma_wait3A_51 = tpu.memref_squeeze %dma_wait3A_50 : memref<1x1x128xi32, #tpu.memory_space<hbm>> -> memref<128xi32, #tpu.memory_space<hbm>>
        %dma_wait3A_52 = arith.constant 0 : i32
        %dma_wait3A_53 = tpu.memref_slice %arg5[%run_scoped3A_36, %dma_wait3A_52] : memref<1x128xi32, #tpu.memory_space<vmem>> -> memref<1x128xi32, #tpu.memory_space<vmem>>
        %dma_wait3A_54 = tpu.memref_squeeze %dma_wait3A_53 : memref<1x128xi32, #tpu.memory_space<vmem>> -> memref<128xi32, #tpu.memory_space<vmem>>
        %dma_wait3A_55 = tpu.memref_slice %arg2[%run_scoped3A, %run_scoped3A_35, %add3A_34] : memref<2x2x327680xi32, #tpu.memory_space<hbm>> -> memref<1x1x128xi32, #tpu.memory_space<hbm>>
        %dma_wait3A_56 = tpu.memref_squeeze %dma_wait3A_55 : memref<1x1x128xi32, #tpu.memory_space<hbm>> -> memref<128xi32, #tpu.memory_space<hbm>>
        tpu.wait_dma2 semaphore(%run_scoped3A_38 : memref<!tpu.dma_semaphore, #tpu.memory_space<semaphore_mem>>) src(%dma_wait3A_56 : memref<128xi32, #tpu.memory_space<hbm>>) dst(%dma_wait3A_54 : memref<128xi32, #tpu.memory_space<vmem>>)
        tpu.yield
      }) : () -> ()
      %run_scoped3A_37 = arith.constant 0 : i32
      "tpu.region"() ({
        %run_scoped3A_38 = tpu.sem_alloc : memref<!tpu.dma_semaphore, #tpu.memory_space<semaphore_mem>>
        %dma_start3A = arith.constant 0 : i32
        %dma_start3A_39 = tpu.memref_slice %arg5[%run_scoped3A_37, %dma_start3A] : memref<1x128xi32, #tpu.memory_space<vmem>> -> memref<1x128xi32, #tpu.memory_space<vmem>>
        %dma_start3A_40 = tpu.memref_squeeze %dma_start3A_39 : memref<1x128xi32, #tpu.memory_space<vmem>> -> memref<128xi32, #tpu.memory_space<vmem>>
        %dma_start3A_41 = arith.constant 0 : i32
        %dma_start3A_42 = arith.constant 0 : i32
        %dma_start3A_43 = tpu.memref_slice %arg4[%dma_start3A_41, %dma_start3A_42] : memref<10240x16xf32, #tpu.memory_space<vmem_shared>> -> memref<10240x16xf32, #tpu.memory_space<vmem_shared>>
        tpu.enqueue_indirect_dma source(%arg6 : memref<128x16xf32, #tpu.memory_space<vmem>>) target(%dma_start3A_43 : memref<10240x16xf32, #tpu.memory_space<vmem_shared>>) offsets(%dma_start3A_40 : memref<128xi32, #tpu.memory_space<vmem>>) semaphore(%run_scoped3A_38 : memref<!tpu.dma_semaphore, #tpu.memory_space<semaphore_mem>>) {add = true}
        %dma_wait3A = arith.constant 0 : i32
        %dma_wait3A_44 = tpu.memref_slice %arg5[%run_scoped3A_37, %dma_wait3A] : memref<1x128xi32, #tpu.memory_space<vmem>> -> memref<1x128xi32, #tpu.memory_space<vmem>>
        %dma_wait3A_45 = tpu.memref_squeeze %dma_wait3A_44 : memref<1x128xi32, #tpu.memory_space<vmem>> -> memref<128xi32, #tpu.memory_space<vmem>>
        %dma_wait3A_46 = arith.constant 0 : i32
        %dma_wait3A_47 = arith.constant 0 : i32
        %dma_wait3A_48 = tpu.memref_slice %arg4[%dma_wait3A_46, %dma_wait3A_47] : memref<10240x16xf32, #tpu.memory_space<vmem_shared>> -> memref<10240x16xf32, #tpu.memory_space<vmem_shared>>
        tpu.wait_indirect_dma semaphore(%run_scoped3A_38 : memref<!tpu.dma_semaphore, #tpu.memory_space<semaphore_mem>>) src(%arg6 : memref<128x16xf32, #tpu.memory_space<vmem>>) dst(%dma_wait3A_48 : memref<10240x16xf32, #tpu.memory_space<vmem_shared>>)
        tpu.yield
      }) : () -> ()
    }
    %scan3A_21 = arith.constant 80 : i32
    %barrier3A_22 = arith.constant 0 : index
    tpu.barrier barrier_id(%barrier3A_22)
    %mul3A_23 = arith.constant 640 : i32
    %mul3A_24 = arith.muli %arg1, %mul3A_23 : i32
    %mul3A_25 = arith.constant 640 : i32
    %mul3A_26 = arith.muli %arg1, %mul3A_25 : i32
    "tpu.region"() ({
      %run_scoped3A = tpu.sem_alloc : memref<!tpu.dma_semaphore, #tpu.memory_space<semaphore_mem>>
      %dma_start3A = arith.constant 0 : i32
      %dma_start3A_27 = tpu.memref_slice %arg3[%arg0, %mul3A_26, %dma_start3A] : memref<2x10240x16xf32, #tpu.memory_space<hbm>> -> memref<1x640x16xf32, #tpu.memory_space<hbm>>
      %dma_start3A_28 = tpu.memref_squeeze %dma_start3A_27 : memref<1x640x16xf32, #tpu.memory_space<hbm>> -> memref<640x16xf32, #tpu.memory_space<hbm>>
      %dma_start3A_29 = arith.constant 0 : i32
      %dma_start3A_30 = tpu.memref_slice %arg4[%mul3A_24, %dma_start3A_29] : memref<10240x16xf32, #tpu.memory_space<vmem_shared>> -> memref<640x16xf32, #tpu.memory_space<vmem_shared>>
      tpu.enqueue_dma source(%dma_start3A_30 : memref<640x16xf32, #tpu.memory_space<vmem_shared>>) target(%dma_start3A_28 : memref<640x16xf32, #tpu.memory_space<hbm>>) target_semaphore(%run_scoped3A : memref<!tpu.dma_semaphore, #tpu.memory_space<semaphore_mem>>)
      %dma_wait3A = arith.constant 0 : i32
      %dma_wait3A_31 = tpu.memref_slice %arg3[%arg0, %mul3A_26, %dma_wait3A] : memref<2x10240x16xf32, #tpu.memory_space<hbm>> -> memref<1x640x16xf32, #tpu.memory_space<hbm>>
      %dma_wait3A_32 = tpu.memref_squeeze %dma_wait3A_31 : memref<1x640x16xf32, #tpu.memory_space<hbm>> -> memref<640x16xf32, #tpu.memory_space<hbm>>
      %dma_wait3A_33 = arith.constant 0 : i32
      %dma_wait3A_34 = tpu.memref_slice %arg4[%mul3A_24, %dma_wait3A_33] : memref<10240x16xf32, #tpu.memory_space<vmem_shared>> -> memref<640x16xf32, #tpu.memory_space<vmem_shared>>
      tpu.wait_dma2 semaphore(%run_scoped3A : memref<!tpu.dma_semaphore, #tpu.memory_space<semaphore_mem>>) src(%dma_wait3A_34 : memref<640x16xf32, #tpu.memory_space<vmem_shared>>) dst(%dma_wait3A_32 : memref<640x16xf32, #tpu.memory_space<hbm>>)
      tpu.yield
    }) : () -> ()
    return
  }
}

#map = affine_map<(d0, d1) -> (0, 0)>
#map1 = affine_map<(d0, d1) -> (0, 0, 0)>
module attributes {stable_mosaic.version = 14 : i64} {
  func.func @agg(%arg0: i32, %arg1: i32, %arg2: memref<10016x128xf32, #tpu.memory_space<hbm>>, %arg3: memref<2x2x327680xi32, #tpu.memory_space<hbm>>, %arg4: memref<2x10240x128xf32, #tpu.memory_space<hbm>>, %arg5: memref<10240x128xf32, #tpu.memory_space<vmem_shared>>, %arg6: memref<2x128xi32, #tpu.memory_space<vmem>>, %arg7: memref<128x128xf32, #tpu.memory_space<vmem>>, %arg8: memref<64x128xf32, #tpu.memory_space<vmem>>, %arg9: memref<!tpu.dma_semaphore, #tpu.memory_space<semaphore_mem>>) attributes {dimension_semantics = [#tpu.dimension_semantics<core_parallel>, #tpu.dimension_semantics<subcore_parallel>], iteration_bounds = array<i64: 2, 16>, scalar_prefetch = 0 : i64, scratch_operands = 5 : i64, tpu.core_type = #tpu.core_type<sc_vector_subcore>, window_params = [{transform_indices = #map}, {transform_indices = #map1}, {transform_indices = #map1}]} {
    %scan3A = arith.constant 0 : i32
    %scan3A_0 = arith.constant 64 : i32
    %scan3A_1 = arith.addi %scan3A, %scan3A_0 : i32
    %scan3A_2 = arith.constant 1 : i32
    scf.for %scan3A_22 = %scan3A to %scan3A_1 step %scan3A_2  : i32 {
      %mul3A_23 = arith.constant 1 : i32
      %mul3A_24 = arith.muli %scan3A_22, %mul3A_23 : i32
      %add3A_25 = arith.constant 0 : i32
      %add3A_26 = arith.addi %add3A_25, %mul3A_24 : i32
      %broadcast_in_dim3A = arith.constant 0.000000e+00 : f32
      %broadcast_in_dim3A_27 = vector.broadcast %broadcast_in_dim3A : f32 to vector<16xf32>
      %swap3A = arith.index_cast %add3A_26 : i32 to index
      %swap3A_28 = arith.constant 0 : index
      %swap3A_29 = tpu.vector_load %arg8[%swap3A, %swap3A_28] {strides = array<i32>} : memref<64x128xf32, #tpu.memory_space<vmem>>, vector<1x16xf32>,
      %swap3A_30 = vector.shape_cast %swap3A_29 : vector<1x16xf32> to vector<16xf32>
      %swap3A_31 = vector.shape_cast %broadcast_in_dim3A_27 : vector<16xf32> to vector<1x16xf32>
      tpu.vector_store %arg8[%swap3A, %swap3A_28], %swap3A_31 {strides = array<i32>} : memref<64x128xf32, #tpu.memory_space<vmem>>, vector<1x16xf32>,
      %broadcast_in_dim3A_32 = arith.constant 0.000000e+00 : f32
      %broadcast_in_dim3A_33 = vector.broadcast %broadcast_in_dim3A_32 : f32 to vector<16xf32>
      %swap3A_34 = arith.index_cast %add3A_26 : i32 to index
      %swap3A_35 = arith.constant 16 : index
      %swap3A_36 = tpu.vector_load %arg8[%swap3A_34, %swap3A_35] {strides = array<i32>} : memref<64x128xf32, #tpu.memory_space<vmem>>, vector<1x16xf32>,
      %swap3A_37 = vector.shape_cast %swap3A_36 : vector<1x16xf32> to vector<16xf32>
      %swap3A_38 = vector.shape_cast %broadcast_in_dim3A_33 : vector<16xf32> to vector<1x16xf32>
      tpu.vector_store %arg8[%swap3A_34, %swap3A_35], %swap3A_38 {strides = array<i32>} : memref<64x128xf32, #tpu.memory_space<vmem>>, vector<1x16xf32>,
      %broadcast_in_dim3A_39 = arith.constant 0.000000e+00 : f32
      %broadcast_in_dim3A_40 = vector.broadcast %broadcast_in_dim3A_39 : f32 to vector<16xf32>
      %swap3A_41 = arith.index_cast %add3A_26 : i32 to index
      %swap3A_42 = arith.constant 32 : index
      %swap3A_43 = tpu.vector_load %arg8[%swap3A_41, %swap3A_42] {strides = array<i32>} : memref<64x128xf32, #tpu.memory_space<vmem>>, vector<1x16xf32>,
      %swap3A_44 = vector.shape_cast %swap3A_43 : vector<1x16xf32> to vector<16xf32>
      %swap3A_45 = vector.shape_cast %broadcast_in_dim3A_40 : vector<16xf32> to vector<1x16xf32>
      tpu.vector_store %arg8[%swap3A_41, %swap3A_42], %swap3A_45 {strides = array<i32>} : memref<64x128xf32, #tpu.memory_space<vmem>>, vector<1x16xf32>,
      %broadcast_in_dim3A_46 = arith.constant 0.000000e+00 : f32
      %broadcast_in_dim3A_47 = vector.broadcast %broadcast_in_dim3A_46 : f32 to vector<16xf32>
      %swap3A_48 = arith.index_cast %add3A_26 : i32 to index
      %swap3A_49 = arith.constant 48 : index
      %swap3A_50 = tpu.vector_load %arg8[%swap3A_48, %swap3A_49] {strides = array<i32>} : memref<64x128xf32, #tpu.memory_space<vmem>>, vector<1x16xf32>,
      %swap3A_51 = vector.shape_cast %swap3A_50 : vector<1x16xf32> to vector<16xf32>
      %swap3A_52 = vector.shape_cast %broadcast_in_dim3A_47 : vector<16xf32> to vector<1x16xf32>
      tpu.vector_store %arg8[%swap3A_48, %swap3A_49], %swap3A_52 {strides = array<i32>} : memref<64x128xf32, #tpu.memory_space<vmem>>, vector<1x16xf32>,
      %broadcast_in_dim3A_53 = arith.constant 0.000000e+00 : f32
      %broadcast_in_dim3A_54 = vector.broadcast %broadcast_in_dim3A_53 : f32 to vector<16xf32>
      %swap3A_55 = arith.index_cast %add3A_26 : i32 to index
      %swap3A_56 = arith.constant 64 : index
      %swap3A_57 = tpu.vector_load %arg8[%swap3A_55, %swap3A_56] {strides = array<i32>} : memref<64x128xf32, #tpu.memory_space<vmem>>, vector<1x16xf32>,
      %swap3A_58 = vector.shape_cast %swap3A_57 : vector<1x16xf32> to vector<16xf32>
      %swap3A_59 = vector.shape_cast %broadcast_in_dim3A_54 : vector<16xf32> to vector<1x16xf32>
      tpu.vector_store %arg8[%swap3A_55, %swap3A_56], %swap3A_59 {strides = array<i32>} : memref<64x128xf32, #tpu.memory_space<vmem>>, vector<1x16xf32>,
      %broadcast_in_dim3A_60 = arith.constant 0.000000e+00 : f32
      %broadcast_in_dim3A_61 = vector.broadcast %broadcast_in_dim3A_60 : f32 to vector<16xf32>
      %swap3A_62 = arith.index_cast %add3A_26 : i32 to index
      %swap3A_63 = arith.constant 80 : index
      %swap3A_64 = tpu.vector_load %arg8[%swap3A_62, %swap3A_63] {strides = array<i32>} : memref<64x128xf32, #tpu.memory_space<vmem>>, vector<1x16xf32>,
      %swap3A_65 = vector.shape_cast %swap3A_64 : vector<1x16xf32> to vector<16xf32>
      %swap3A_66 = vector.shape_cast %broadcast_in_dim3A_61 : vector<16xf32> to vector<1x16xf32>
      tpu.vector_store %arg8[%swap3A_62, %swap3A_63], %swap3A_66 {strides = array<i32>} : memref<64x128xf32, #tpu.memory_space<vmem>>, vector<1x16xf32>,
      %broadcast_in_dim3A_67 = arith.constant 0.000000e+00 : f32
      %broadcast_in_dim3A_68 = vector.broadcast %broadcast_in_dim3A_67 : f32 to vector<16xf32>
      %swap3A_69 = arith.index_cast %add3A_26 : i32 to index
      %swap3A_70 = arith.constant 96 : index
      %swap3A_71 = tpu.vector_load %arg8[%swap3A_69, %swap3A_70] {strides = array<i32>} : memref<64x128xf32, #tpu.memory_space<vmem>>, vector<1x16xf32>,
      %swap3A_72 = vector.shape_cast %swap3A_71 : vector<1x16xf32> to vector<16xf32>
      %swap3A_73 = vector.shape_cast %broadcast_in_dim3A_68 : vector<16xf32> to vector<1x16xf32>
      tpu.vector_store %arg8[%swap3A_69, %swap3A_70], %swap3A_73 {strides = array<i32>} : memref<64x128xf32, #tpu.memory_space<vmem>>, vector<1x16xf32>,
      %broadcast_in_dim3A_74 = arith.constant 0.000000e+00 : f32
      %broadcast_in_dim3A_75 = vector.broadcast %broadcast_in_dim3A_74 : f32 to vector<16xf32>
      %swap3A_76 = arith.index_cast %add3A_26 : i32 to index
      %swap3A_77 = arith.constant 112 : index
      %swap3A_78 = tpu.vector_load %arg8[%swap3A_76, %swap3A_77] {strides = array<i32>} : memref<64x128xf32, #tpu.memory_space<vmem>>, vector<1x16xf32>,
      %swap3A_79 = vector.shape_cast %swap3A_78 : vector<1x16xf32> to vector<16xf32>
      %swap3A_80 = vector.shape_cast %broadcast_in_dim3A_75 : vector<16xf32> to vector<1x16xf32>
      tpu.vector_store %arg8[%swap3A_76, %swap3A_77], %swap3A_80 {strides = array<i32>} : memref<64x128xf32, #tpu.memory_space<vmem>>, vector<1x16xf32>,
    }
    %scan3A_3 = arith.constant 64 : i32
    %scan3A_4 = arith.constant 0 : i32
    %scan3A_5 = arith.constant 10 : i32
    %scan3A_6 = arith.addi %scan3A_4, %scan3A_5 : i32
    %scan3A_7 = arith.constant 1 : i32
    scf.for %scan3A_22 = %scan3A_4 to %scan3A_6 step %scan3A_7  : i32 {
      %mul3A_23 = arith.constant 1 : i32
      %mul3A_24 = arith.muli %scan3A_22, %mul3A_23 : i32
      %add3A_25 = arith.constant 0 : i32
      %add3A_26 = arith.addi %add3A_25, %mul3A_24 : i32
      %mul3A_27 = arith.constant 640 : i32
      %mul3A_28 = arith.muli %arg1, %mul3A_27 : i32
      %mul3A_29 = arith.constant 64 : i32
      %mul3A_30 = arith.muli %add3A_26, %mul3A_29 : i32
      %add3A_31 = arith.addi %mul3A_28, %mul3A_30 : i32
      "tpu.region"() ({
        %run_scoped3A = tpu.sem_alloc : memref<!tpu.dma_semaphore, #tpu.memory_space<semaphore_mem>>
        %dma_start3A = arith.constant 0 : i32
        %dma_start3A_32 = tpu.memref_slice %arg5[%add3A_31, %dma_start3A] : memref<10240x128xf32, #tpu.memory_space<vmem_shared>> -> memref<64x128xf32, #tpu.memory_space<vmem_shared>>
        %dma_start3A_33 = arith.constant 0 : i32
        %dma_start3A_34 = tpu.memref_slice %arg5[%add3A_31, %dma_start3A_33] : memref<10240x128xf32, #tpu.memory_space<vmem_shared>> -> memref<64x128xf32, #tpu.memory_space<vmem_shared>>
        tpu.enqueue_dma source(%arg8 : memref<64x128xf32, #tpu.memory_space<vmem>>) target(%dma_start3A_34 : memref<64x128xf32, #tpu.memory_space<vmem_shared>>) target_semaphore(%run_scoped3A : memref<!tpu.dma_semaphore, #tpu.memory_space<semaphore_mem>>)
        %dma_wait3A = arith.constant 0 : i32
        %dma_wait3A_35 = tpu.memref_slice %arg5[%add3A_31, %dma_wait3A] : memref<10240x128xf32, #tpu.memory_space<vmem_shared>> -> memref<64x128xf32, #tpu.memory_space<vmem_shared>>
        %dma_wait3A_36 = arith.constant 0 : i32
        %dma_wait3A_37 = tpu.memref_slice %arg5[%add3A_31, %dma_wait3A_36] : memref<10240x128xf32, #tpu.memory_space<vmem_shared>> -> memref<64x128xf32, #tpu.memory_space<vmem_shared>>
        tpu.wait_dma2 semaphore(%run_scoped3A : memref<!tpu.dma_semaphore, #tpu.memory_space<semaphore_mem>>) src(%arg8 : memref<64x128xf32, #tpu.memory_space<vmem>>) dst(%dma_wait3A_37 : memref<64x128xf32, #tpu.memory_space<vmem_shared>>)
        tpu.yield
      }) : () -> ()
    }
    %scan3A_8 = arith.constant 10 : i32
    %barrier3A = arith.constant 0 : index
    tpu.barrier barrier_id(%barrier3A)
    %mul3A = arith.constant 16 : i32
    %mul3A_9 = arith.muli %arg0, %mul3A : i32
    %add3A = arith.addi %mul3A_9, %arg1 : i32
    %mul3A_10 = arith.constant 10240 : i32
    %mul3A_11 = arith.muli %add3A, %mul3A_10 : i32
    %scan3A_12 = arith.constant 0 : i32
    %scan3A_13 = arith.constant 80 : i32
    %scan3A_14 = arith.addi %scan3A_12, %scan3A_13 : i32
    %scan3A_15 = arith.constant 1 : i32
    scf.for %scan3A_22 = %scan3A_12 to %scan3A_14 step %scan3A_15  : i32 {
      %mul3A_23 = arith.constant 1 : i32
      %mul3A_24 = arith.muli %scan3A_22, %mul3A_23 : i32
      %add3A_25 = arith.constant 0 : i32
      %add3A_26 = arith.addi %add3A_25, %mul3A_24 : i32
      %mul3A_27 = arith.constant 128 : i32
      %mul3A_28 = arith.muli %add3A_26, %mul3A_27 : i32
      %add3A_29 = arith.addi %mul3A_11, %mul3A_28 : i32
      %run_scoped3A = arith.constant 0 : i32
      "tpu.region"() ({
        %run_scoped3A_43 = tpu.sem_alloc : memref<!tpu.dma_semaphore, #tpu.memory_space<semaphore_mem>>
        %dma_start3A_44 = arith.constant 0 : i32
        %dma_start3A_45 = tpu.memref_slice %arg3[%run_scoped3A, %dma_start3A_44, %add3A_29] : memref<2x2x327680xi32, #tpu.memory_space<hbm>> -> memref<1x2x128xi32, #tpu.memory_space<hbm>>
        %dma_start3A_46 = tpu.memref_squeeze %dma_start3A_45 : memref<1x2x128xi32, #tpu.memory_space<hbm>> -> memref<2x128xi32, #tpu.memory_space<hbm>>
        %dma_start3A_47 = arith.constant 0 : i32
        %dma_start3A_48 = tpu.memref_slice %arg3[%run_scoped3A, %dma_start3A_47, %add3A_29] : memref<2x2x327680xi32, #tpu.memory_space<hbm>> -> memref<1x2x128xi32, #tpu.memory_space<hbm>>
        %dma_start3A_49 = tpu.memref_squeeze %dma_start3A_48 : memref<1x2x128xi32, #tpu.memory_space<hbm>> -> memref<2x128xi32, #tpu.memory_space<hbm>>
        tpu.enqueue_dma source(%dma_start3A_49 : memref<2x128xi32, #tpu.memory_space<hbm>>) target(%arg6 : memref<2x128xi32, #tpu.memory_space<vmem>>) target_semaphore(%run_scoped3A_43 : memref<!tpu.dma_semaphore, #tpu.memory_space<semaphore_mem>>)
        %dma_wait3A_50 = arith.constant 0 : i32
        %dma_wait3A_51 = tpu.memref_slice %arg3[%run_scoped3A, %dma_wait3A_50, %add3A_29] : memref<2x2x327680xi32, #tpu.memory_space<hbm>> -> memref<1x2x128xi32, #tpu.memory_space<hbm>>
        %dma_wait3A_52 = tpu.memref_squeeze %dma_wait3A_51 : memref<1x2x128xi32, #tpu.memory_space<hbm>> -> memref<2x128xi32, #tpu.memory_space<hbm>>
        %dma_wait3A_53 = arith.constant 0 : i32
        %dma_wait3A_54 = tpu.memref_slice %arg3[%run_scoped3A, %dma_wait3A_53, %add3A_29] : memref<2x2x327680xi32, #tpu.memory_space<hbm>> -> memref<1x2x128xi32, #tpu.memory_space<hbm>>
        %dma_wait3A_55 = tpu.memref_squeeze %dma_wait3A_54 : memref<1x2x128xi32, #tpu.memory_space<hbm>> -> memref<2x128xi32, #tpu.memory_space<hbm>>
        tpu.wait_dma2 semaphore(%run_scoped3A_43 : memref<!tpu.dma_semaphore, #tpu.memory_space<semaphore_mem>>) src(%dma_wait3A_55 : memref<2x128xi32, #tpu.memory_space<hbm>>) dst(%arg6 : memref<2x128xi32, #tpu.memory_space<vmem>>)
        tpu.yield
      }) : () -> ()
      %dma_start3A = arith.constant 0 : i32
      %dma_start3A_30 = arith.constant 0 : i32
      %dma_start3A_31 = tpu.memref_slice %arg6[%dma_start3A, %dma_start3A_30] : memref<2x128xi32, #tpu.memory_space<vmem>> -> memref<1x128xi32, #tpu.memory_space<vmem>>
      %dma_start3A_32 = tpu.memref_squeeze %dma_start3A_31 : memref<1x128xi32, #tpu.memory_space<vmem>> -> memref<128xi32, #tpu.memory_space<vmem>>
      %dma_start3A_33 = arith.constant 0 : i32
      %dma_start3A_34 = arith.constant 0 : i32
      %dma_start3A_35 = tpu.memref_slice %arg2[%dma_start3A_33, %dma_start3A_34] : memref<10016x128xf32, #tpu.memory_space<hbm>> -> memref<10016x128xf32, #tpu.memory_space<hbm>>
      tpu.enqueue_indirect_dma source(%dma_start3A_35 : memref<10016x128xf32, #tpu.memory_space<hbm>>) target(%arg7 : memref<128x128xf32, #tpu.memory_space<vmem>>) offsets(%dma_start3A_32 : memref<128xi32, #tpu.memory_space<vmem>>) semaphore(%arg9 : memref<!tpu.dma_semaphore, #tpu.memory_space<semaphore_mem>>)
      %dma_wait3A = arith.constant 0 : i32
      %dma_wait3A_36 = arith.constant 0 : i32
      %dma_wait3A_37 = tpu.memref_slice %arg6[%dma_wait3A, %dma_wait3A_36] : memref<2x128xi32, #tpu.memory_space<vmem>> -> memref<1x128xi32, #tpu.memory_space<vmem>>
      %dma_wait3A_38 = tpu.memref_squeeze %dma_wait3A_37 : memref<1x128xi32, #tpu.memory_space<vmem>> -> memref<128xi32, #tpu.memory_space<vmem>>
      %dma_wait3A_39 = arith.constant 0 : i32
      %dma_wait3A_40 = arith.constant 0 : i32
      %dma_wait3A_41 = tpu.memref_slice %arg2[%dma_wait3A_39, %dma_wait3A_40] : memref<10016x128xf32, #tpu.memory_space<hbm>> -> memref<10016x128xf32, #tpu.memory_space<hbm>>
      tpu.wait_indirect_dma semaphore(%arg9 : memref<!tpu.dma_semaphore, #tpu.memory_space<semaphore_mem>>) src(%dma_wait3A_41 : memref<10016x128xf32, #tpu.memory_space<hbm>>) dst(%arg7 : memref<128x128xf32, #tpu.memory_space<vmem>>)
      %run_scoped3A_42 = arith.constant 1 : i32
      "tpu.region"() ({
        %run_scoped3A_43 = tpu.sem_alloc : memref<!tpu.dma_semaphore, #tpu.memory_space<semaphore_mem>>
        %dma_start3A_44 = arith.constant 0 : i32
        %dma_start3A_45 = tpu.memref_slice %arg6[%run_scoped3A_42, %dma_start3A_44] : memref<2x128xi32, #tpu.memory_space<vmem>> -> memref<1x128xi32, #tpu.memory_space<vmem>>
        %dma_start3A_46 = tpu.memref_squeeze %dma_start3A_45 : memref<1x128xi32, #tpu.memory_space<vmem>> -> memref<128xi32, #tpu.memory_space<vmem>>
        %dma_start3A_47 = arith.constant 0 : i32
        %dma_start3A_48 = arith.constant 0 : i32
        %dma_start3A_49 = tpu.memref_slice %arg5[%dma_start3A_47, %dma_start3A_48] : memref<10240x128xf32, #tpu.memory_space<vmem_shared>> -> memref<10240x128xf32, #tpu.memory_space<vmem_shared>>
        tpu.enqueue_indirect_dma source(%arg7 : memref<128x128xf32, #tpu.memory_space<vmem>>) target(%dma_start3A_49 : memref<10240x128xf32, #tpu.memory_space<vmem_shared>>) offsets(%dma_start3A_46 : memref<128xi32, #tpu.memory_space<vmem>>) semaphore(%run_scoped3A_43 : memref<!tpu.dma_semaphore, #tpu.memory_space<semaphore_mem>>) {add = true}
        %dma_wait3A_50 = arith.constant 0 : i32
        %dma_wait3A_51 = tpu.memref_slice %arg6[%run_scoped3A_42, %dma_wait3A_50] : memref<2x128xi32, #tpu.memory_space<vmem>> -> memref<1x128xi32, #tpu.memory_space<vmem>>
        %dma_wait3A_52 = tpu.memref_squeeze %dma_wait3A_51 : memref<1x128xi32, #tpu.memory_space<vmem>> -> memref<128xi32, #tpu.memory_space<vmem>>
        %dma_wait3A_53 = arith.constant 0 : i32
        %dma_wait3A_54 = arith.constant 0 : i32
        %dma_wait3A_55 = tpu.memref_slice %arg5[%dma_wait3A_53, %dma_wait3A_54] : memref<10240x128xf32, #tpu.memory_space<vmem_shared>> -> memref<10240x128xf32, #tpu.memory_space<vmem_shared>>
        tpu.wait_indirect_dma semaphore(%run_scoped3A_43 : memref<!tpu.dma_semaphore, #tpu.memory_space<semaphore_mem>>) src(%arg7 : memref<128x128xf32, #tpu.memory_space<vmem>>) dst(%dma_wait3A_55 : memref<10240x128xf32, #tpu.memory_space<vmem_shared>>)
        tpu.yield
      }) : () -> ()
    }
    %scan3A_16 = arith.constant 80 : i32
    %barrier3A_17 = arith.constant 0 : index
    tpu.barrier barrier_id(%barrier3A_17)
    %mul3A_18 = arith.constant 640 : i32
    %mul3A_19 = arith.muli %arg1, %mul3A_18 : i32
    %mul3A_20 = arith.constant 640 : i32
    %mul3A_21 = arith.muli %arg1, %mul3A_20 : i32
    "tpu.region"() ({
      %run_scoped3A = tpu.sem_alloc : memref<!tpu.dma_semaphore, #tpu.memory_space<semaphore_mem>>
      %dma_start3A = arith.constant 0 : i32
      %dma_start3A_22 = tpu.memref_slice %arg4[%arg0, %mul3A_21, %dma_start3A] : memref<2x10240x128xf32, #tpu.memory_space<hbm>> -> memref<1x640x128xf32, #tpu.memory_space<hbm>>
      %dma_start3A_23 = tpu.memref_squeeze %dma_start3A_22 : memref<1x640x128xf32, #tpu.memory_space<hbm>> -> memref<640x128xf32, #tpu.memory_space<hbm>>
      %dma_start3A_24 = arith.constant 0 : i32
      %dma_start3A_25 = tpu.memref_slice %arg5[%mul3A_19, %dma_start3A_24] : memref<10240x128xf32, #tpu.memory_space<vmem_shared>> -> memref<640x128xf32, #tpu.memory_space<vmem_shared>>
      tpu.enqueue_dma source(%dma_start3A_25 : memref<640x128xf32, #tpu.memory_space<vmem_shared>>) target(%dma_start3A_23 : memref<640x128xf32, #tpu.memory_space<hbm>>) target_semaphore(%run_scoped3A : memref<!tpu.dma_semaphore, #tpu.memory_space<semaphore_mem>>)
      %dma_wait3A = arith.constant 0 : i32
      %dma_wait3A_26 = tpu.memref_slice %arg4[%arg0, %mul3A_21, %dma_wait3A] : memref<2x10240x128xf32, #tpu.memory_space<hbm>> -> memref<1x640x128xf32, #tpu.memory_space<hbm>>
      %dma_wait3A_27 = tpu.memref_squeeze %dma_wait3A_26 : memref<1x640x128xf32, #tpu.memory_space<hbm>> -> memref<640x128xf32, #tpu.memory_space<hbm>>
      %dma_wait3A_28 = arith.constant 0 : i32
      %dma_wait3A_29 = tpu.memref_slice %arg5[%mul3A_19, %dma_wait3A_28] : memref<10240x128xf32, #tpu.memory_space<vmem_shared>> -> memref<640x128xf32, #tpu.memory_space<vmem_shared>>
      tpu.wait_dma2 semaphore(%run_scoped3A : memref<!tpu.dma_semaphore, #tpu.memory_space<semaphore_mem>>) src(%dma_wait3A_29 : memref<640x128xf32, #tpu.memory_space<vmem_shared>>) dst(%dma_wait3A_27 : memref<640x128xf32, #tpu.memory_space<hbm>>)
      tpu.yield
    }) : () -> ()
    return
  }
}

#map = affine_map<(d0, d1) -> (0, 0)>
#map1 = affine_map<(d0, d1) -> (0, 0, 0)>
module attributes {stable_mosaic.version = 14 : i64} {
  func.func @agg(%arg0: i32, %arg1: i32, %arg2: memref<20032x128xf32, #tpu.memory_space<hbm>>, %arg3: memref<2x2x327680xi32, #tpu.memory_space<hbm>>, %arg4: memref<2x10240x128xf32, #tpu.memory_space<hbm>>, %arg5: memref<10240x128xf32, #tpu.memory_space<vmem_shared>>, %arg6: memref<2x128xi32, #tpu.memory_space<vmem>>, %arg7: memref<128x128xf32, #tpu.memory_space<vmem>>, %arg8: memref<64x128xf32, #tpu.memory_space<vmem>>, %arg9: memref<!tpu.dma_semaphore, #tpu.memory_space<semaphore_mem>>) attributes {dimension_semantics = [#tpu.dimension_semantics<core_parallel>, #tpu.dimension_semantics<subcore_parallel>], iteration_bounds = array<i64: 2, 16>, scalar_prefetch = 0 : i64, scratch_operands = 5 : i64, tpu.core_type = #tpu.core_type<sc_vector_subcore>, window_params = [{transform_indices = #map}, {transform_indices = #map1}, {transform_indices = #map1}]} {
    %scan3A = arith.constant 0 : i32
    %scan3A_0 = arith.constant 64 : i32
    %scan3A_1 = arith.addi %scan3A, %scan3A_0 : i32
    %scan3A_2 = arith.constant 1 : i32
    scf.for %scan3A_20 = %scan3A to %scan3A_1 step %scan3A_2  : i32 {
      %mul3A_21 = arith.constant 1 : i32
      %mul3A_22 = arith.muli %scan3A_20, %mul3A_21 : i32
      %add3A = arith.constant 0 : i32
      %add3A_23 = arith.addi %add3A, %mul3A_22 : i32
      %broadcast_in_dim3A = arith.constant 0.000000e+00 : f32
      %broadcast_in_dim3A_24 = vector.broadcast %broadcast_in_dim3A : f32 to vector<16xf32>
      %swap3A = arith.index_cast %add3A_23 : i32 to index
      %swap3A_25 = arith.constant 0 : index
      %swap3A_26 = tpu.vector_load %arg8[%swap3A, %swap3A_25] {strides = array<i32>} : memref<64x128xf32, #tpu.memory_space<vmem>>, vector<1x16xf32>,
      %swap3A_27 = vector.shape_cast %swap3A_26 : vector<1x16xf32> to vector<16xf32>
      %swap3A_28 = vector.shape_cast %broadcast_in_dim3A_24 : vector<16xf32> to vector<1x16xf32>
      tpu.vector_store %arg8[%swap3A, %swap3A_25], %swap3A_28 {strides = array<i32>} : memref<64x128xf32, #tpu.memory_space<vmem>>, vector<1x16xf32>,
      %broadcast_in_dim3A_29 = arith.constant 0.000000e+00 : f32
      %broadcast_in_dim3A_30 = vector.broadcast %broadcast_in_dim3A_29 : f32 to vector<16xf32>
      %swap3A_31 = arith.index_cast %add3A_23 : i32 to index
      %swap3A_32 = arith.constant 16 : index
      %swap3A_33 = tpu.vector_load %arg8[%swap3A_31, %swap3A_32] {strides = array<i32>} : memref<64x128xf32, #tpu.memory_space<vmem>>, vector<1x16xf32>,
      %swap3A_34 = vector.shape_cast %swap3A_33 : vector<1x16xf32> to vector<16xf32>
      %swap3A_35 = vector.shape_cast %broadcast_in_dim3A_30 : vector<16xf32> to vector<1x16xf32>
      tpu.vector_store %arg8[%swap3A_31, %swap3A_32], %swap3A_35 {strides = array<i32>} : memref<64x128xf32, #tpu.memory_space<vmem>>, vector<1x16xf32>,
      %broadcast_in_dim3A_36 = arith.constant 0.000000e+00 : f32
      %broadcast_in_dim3A_37 = vector.broadcast %broadcast_in_dim3A_36 : f32 to vector<16xf32>
      %swap3A_38 = arith.index_cast %add3A_23 : i32 to index
      %swap3A_39 = arith.constant 32 : index
      %swap3A_40 = tpu.vector_load %arg8[%swap3A_38, %swap3A_39] {strides = array<i32>} : memref<64x128xf32, #tpu.memory_space<vmem>>, vector<1x16xf32>,
      %swap3A_41 = vector.shape_cast %swap3A_40 : vector<1x16xf32> to vector<16xf32>
      %swap3A_42 = vector.shape_cast %broadcast_in_dim3A_37 : vector<16xf32> to vector<1x16xf32>
      tpu.vector_store %arg8[%swap3A_38, %swap3A_39], %swap3A_42 {strides = array<i32>} : memref<64x128xf32, #tpu.memory_space<vmem>>, vector<1x16xf32>,
      %broadcast_in_dim3A_43 = arith.constant 0.000000e+00 : f32
      %broadcast_in_dim3A_44 = vector.broadcast %broadcast_in_dim3A_43 : f32 to vector<16xf32>
      %swap3A_45 = arith.index_cast %add3A_23 : i32 to index
      %swap3A_46 = arith.constant 48 : index
      %swap3A_47 = tpu.vector_load %arg8[%swap3A_45, %swap3A_46] {strides = array<i32>} : memref<64x128xf32, #tpu.memory_space<vmem>>, vector<1x16xf32>,
      %swap3A_48 = vector.shape_cast %swap3A_47 : vector<1x16xf32> to vector<16xf32>
      %swap3A_49 = vector.shape_cast %broadcast_in_dim3A_44 : vector<16xf32> to vector<1x16xf32>
      tpu.vector_store %arg8[%swap3A_45, %swap3A_46], %swap3A_49 {strides = array<i32>} : memref<64x128xf32, #tpu.memory_space<vmem>>, vector<1x16xf32>,
      %broadcast_in_dim3A_50 = arith.constant 0.000000e+00 : f32
      %broadcast_in_dim3A_51 = vector.broadcast %broadcast_in_dim3A_50 : f32 to vector<16xf32>
      %swap3A_52 = arith.index_cast %add3A_23 : i32 to index
      %swap3A_53 = arith.constant 64 : index
      %swap3A_54 = tpu.vector_load %arg8[%swap3A_52, %swap3A_53] {strides = array<i32>} : memref<64x128xf32, #tpu.memory_space<vmem>>, vector<1x16xf32>,
      %swap3A_55 = vector.shape_cast %swap3A_54 : vector<1x16xf32> to vector<16xf32>
      %swap3A_56 = vector.shape_cast %broadcast_in_dim3A_51 : vector<16xf32> to vector<1x16xf32>
      tpu.vector_store %arg8[%swap3A_52, %swap3A_53], %swap3A_56 {strides = array<i32>} : memref<64x128xf32, #tpu.memory_space<vmem>>, vector<1x16xf32>,
      %broadcast_in_dim3A_57 = arith.constant 0.000000e+00 : f32
      %broadcast_in_dim3A_58 = vector.broadcast %broadcast_in_dim3A_57 : f32 to vector<16xf32>
      %swap3A_59 = arith.index_cast %add3A_23 : i32 to index
      %swap3A_60 = arith.constant 80 : index
      %swap3A_61 = tpu.vector_load %arg8[%swap3A_59, %swap3A_60] {strides = array<i32>} : memref<64x128xf32, #tpu.memory_space<vmem>>, vector<1x16xf32>,
      %swap3A_62 = vector.shape_cast %swap3A_61 : vector<1x16xf32> to vector<16xf32>
      %swap3A_63 = vector.shape_cast %broadcast_in_dim3A_58 : vector<16xf32> to vector<1x16xf32>
      tpu.vector_store %arg8[%swap3A_59, %swap3A_60], %swap3A_63 {strides = array<i32>} : memref<64x128xf32, #tpu.memory_space<vmem>>, vector<1x16xf32>,
      %broadcast_in_dim3A_64 = arith.constant 0.000000e+00 : f32
      %broadcast_in_dim3A_65 = vector.broadcast %broadcast_in_dim3A_64 : f32 to vector<16xf32>
      %swap3A_66 = arith.index_cast %add3A_23 : i32 to index
      %swap3A_67 = arith.constant 96 : index
      %swap3A_68 = tpu.vector_load %arg8[%swap3A_66, %swap3A_67] {strides = array<i32>} : memref<64x128xf32, #tpu.memory_space<vmem>>, vector<1x16xf32>,
      %swap3A_69 = vector.shape_cast %swap3A_68 : vector<1x16xf32> to vector<16xf32>
      %swap3A_70 = vector.shape_cast %broadcast_in_dim3A_65 : vector<16xf32> to vector<1x16xf32>
      tpu.vector_store %arg8[%swap3A_66, %swap3A_67], %swap3A_70 {strides = array<i32>} : memref<64x128xf32, #tpu.memory_space<vmem>>, vector<1x16xf32>,
      %broadcast_in_dim3A_71 = arith.constant 0.000000e+00 : f32
      %broadcast_in_dim3A_72 = vector.broadcast %broadcast_in_dim3A_71 : f32 to vector<16xf32>
      %swap3A_73 = arith.index_cast %add3A_23 : i32 to index
      %swap3A_74 = arith.constant 112 : index
      %swap3A_75 = tpu.vector_load %arg8[%swap3A_73, %swap3A_74] {strides = array<i32>} : memref<64x128xf32, #tpu.memory_space<vmem>>, vector<1x16xf32>,
      %swap3A_76 = vector.shape_cast %swap3A_75 : vector<1x16xf32> to vector<16xf32>
      %swap3A_77 = vector.shape_cast %broadcast_in_dim3A_72 : vector<16xf32> to vector<1x16xf32>
      tpu.vector_store %arg8[%swap3A_73, %swap3A_74], %swap3A_77 {strides = array<i32>} : memref<64x128xf32, #tpu.memory_space<vmem>>, vector<1x16xf32>,
    }
    %scan3A_3 = arith.constant 64 : i32
    %scan3A_4 = arith.constant 0 : i32
    %scan3A_5 = arith.constant 10 : i32
    %scan3A_6 = arith.addi %scan3A_4, %scan3A_5 : i32
    %scan3A_7 = arith.constant 1 : i32
    scf.for %scan3A_20 = %scan3A_4 to %scan3A_6 step %scan3A_7  : i32 {
      %mul3A_21 = arith.constant 1 : i32
      %mul3A_22 = arith.muli %scan3A_20, %mul3A_21 : i32
      %add3A = arith.constant 0 : i32
      %add3A_23 = arith.addi %add3A, %mul3A_22 : i32
      %mul3A_24 = arith.constant 640 : i32
      %mul3A_25 = arith.muli %arg1, %mul3A_24 : i32
      %mul3A_26 = arith.constant 64 : i32
      %mul3A_27 = arith.muli %add3A_23, %mul3A_26 : i32
      %add3A_28 = arith.addi %mul3A_25, %mul3A_27 : i32
      "tpu.region"() ({
        %run_scoped3A = tpu.sem_alloc : memref<!tpu.dma_semaphore, #tpu.memory_space<semaphore_mem>>
        %dma_start3A = arith.constant 0 : i32
        %dma_start3A_29 = tpu.memref_slice %arg5[%add3A_28, %dma_start3A] : memref<10240x128xf32, #tpu.memory_space<vmem_shared>> -> memref<64x128xf32, #tpu.memory_space<vmem_shared>>
        %dma_start3A_30 = arith.constant 0 : i32
        %dma_start3A_31 = tpu.memref_slice %arg5[%add3A_28, %dma_start3A_30] : memref<10240x128xf32, #tpu.memory_space<vmem_shared>> -> memref<64x128xf32, #tpu.memory_space<vmem_shared>>
        tpu.enqueue_dma source(%arg8 : memref<64x128xf32, #tpu.memory_space<vmem>>) target(%dma_start3A_31 : memref<64x128xf32, #tpu.memory_space<vmem_shared>>) target_semaphore(%run_scoped3A : memref<!tpu.dma_semaphore, #tpu.memory_space<semaphore_mem>>)
        %dma_wait3A = arith.constant 0 : i32
        %dma_wait3A_32 = tpu.memref_slice %arg5[%add3A_28, %dma_wait3A] : memref<10240x128xf32, #tpu.memory_space<vmem_shared>> -> memref<64x128xf32, #tpu.memory_space<vmem_shared>>
        %dma_wait3A_33 = arith.constant 0 : i32
        %dma_wait3A_34 = tpu.memref_slice %arg5[%add3A_28, %dma_wait3A_33] : memref<10240x128xf32, #tpu.memory_space<vmem_shared>> -> memref<64x128xf32, #tpu.memory_space<vmem_shared>>
        tpu.wait_dma2 semaphore(%run_scoped3A : memref<!tpu.dma_semaphore, #tpu.memory_space<semaphore_mem>>) src(%arg8 : memref<64x128xf32, #tpu.memory_space<vmem>>) dst(%dma_wait3A_34 : memref<64x128xf32, #tpu.memory_space<vmem_shared>>)
        tpu.yield
      }) : () -> ()
    }
    %scan3A_8 = arith.constant 10 : i32
    %barrier3A = arith.constant 0 : index
    tpu.barrier barrier_id(%barrier3A)
    %mul3A = arith.constant 20480 : i32
    %mul3A_9 = arith.muli %arg1, %mul3A : i32
    %scan3A_10 = arith.constant 0 : i32
    %scan3A_11 = arith.constant 160 : i32
    %scan3A_12 = arith.addi %scan3A_10, %scan3A_11 : i32
    %scan3A_13 = arith.constant 1 : i32
    scf.for %scan3A_20 = %scan3A_10 to %scan3A_12 step %scan3A_13  : i32 {
      %mul3A_21 = arith.constant 1 : i32
      %mul3A_22 = arith.muli %scan3A_20, %mul3A_21 : i32
      %add3A = arith.constant 0 : i32
      %add3A_23 = arith.addi %add3A, %mul3A_22 : i32
      %mul3A_24 = arith.constant 128 : i32
      %mul3A_25 = arith.muli %add3A_23, %mul3A_24 : i32
      %add3A_26 = arith.addi %mul3A_9, %mul3A_25 : i32
      "tpu.region"() ({
        %run_scoped3A_39 = tpu.sem_alloc : memref<!tpu.dma_semaphore, #tpu.memory_space<semaphore_mem>>
        %dma_start3A_40 = arith.constant 0 : i32
        %dma_start3A_41 = tpu.memref_slice %arg3[%arg0, %dma_start3A_40, %add3A_26] : memref<2x2x327680xi32, #tpu.memory_space<hbm>> -> memref<1x2x128xi32, #tpu.memory_space<hbm>>
        %dma_start3A_42 = tpu.memref_squeeze %dma_start3A_41 : memref<1x2x128xi32, #tpu.memory_space<hbm>> -> memref<2x128xi32, #tpu.memory_space<hbm>>
        %dma_start3A_43 = arith.constant 0 : i32
        %dma_start3A_44 = tpu.memref_slice %arg3[%arg0, %dma_start3A_43, %add3A_26] : memref<2x2x327680xi32, #tpu.memory_space<hbm>> -> memref<1x2x128xi32, #tpu.memory_space<hbm>>
        %dma_start3A_45 = tpu.memref_squeeze %dma_start3A_44 : memref<1x2x128xi32, #tpu.memory_space<hbm>> -> memref<2x128xi32, #tpu.memory_space<hbm>>
        tpu.enqueue_dma source(%dma_start3A_45 : memref<2x128xi32, #tpu.memory_space<hbm>>) target(%arg6 : memref<2x128xi32, #tpu.memory_space<vmem>>) target_semaphore(%run_scoped3A_39 : memref<!tpu.dma_semaphore, #tpu.memory_space<semaphore_mem>>)
        %dma_wait3A_46 = arith.constant 0 : i32
        %dma_wait3A_47 = tpu.memref_slice %arg3[%arg0, %dma_wait3A_46, %add3A_26] : memref<2x2x327680xi32, #tpu.memory_space<hbm>> -> memref<1x2x128xi32, #tpu.memory_space<hbm>>
        %dma_wait3A_48 = tpu.memref_squeeze %dma_wait3A_47 : memref<1x2x128xi32, #tpu.memory_space<hbm>> -> memref<2x128xi32, #tpu.memory_space<hbm>>
        %dma_wait3A_49 = arith.constant 0 : i32
        %dma_wait3A_50 = tpu.memref_slice %arg3[%arg0, %dma_wait3A_49, %add3A_26] : memref<2x2x327680xi32, #tpu.memory_space<hbm>> -> memref<1x2x128xi32, #tpu.memory_space<hbm>>
        %dma_wait3A_51 = tpu.memref_squeeze %dma_wait3A_50 : memref<1x2x128xi32, #tpu.memory_space<hbm>> -> memref<2x128xi32, #tpu.memory_space<hbm>>
        tpu.wait_dma2 semaphore(%run_scoped3A_39 : memref<!tpu.dma_semaphore, #tpu.memory_space<semaphore_mem>>) src(%dma_wait3A_51 : memref<2x128xi32, #tpu.memory_space<hbm>>) dst(%arg6 : memref<2x128xi32, #tpu.memory_space<vmem>>)
        tpu.yield
      }) : () -> ()
      %dma_start3A = arith.constant 0 : i32
      %dma_start3A_27 = arith.constant 0 : i32
      %dma_start3A_28 = tpu.memref_slice %arg6[%dma_start3A, %dma_start3A_27] : memref<2x128xi32, #tpu.memory_space<vmem>> -> memref<1x128xi32, #tpu.memory_space<vmem>>
      %dma_start3A_29 = tpu.memref_squeeze %dma_start3A_28 : memref<1x128xi32, #tpu.memory_space<vmem>> -> memref<128xi32, #tpu.memory_space<vmem>>
      %dma_start3A_30 = arith.constant 0 : i32
      %dma_start3A_31 = arith.constant 0 : i32
      %dma_start3A_32 = tpu.memref_slice %arg2[%dma_start3A_30, %dma_start3A_31] : memref<20032x128xf32, #tpu.memory_space<hbm>> -> memref<20032x128xf32, #tpu.memory_space<hbm>>
      tpu.enqueue_indirect_dma source(%dma_start3A_32 : memref<20032x128xf32, #tpu.memory_space<hbm>>) target(%arg7 : memref<128x128xf32, #tpu.memory_space<vmem>>) offsets(%dma_start3A_29 : memref<128xi32, #tpu.memory_space<vmem>>) semaphore(%arg9 : memref<!tpu.dma_semaphore, #tpu.memory_space<semaphore_mem>>)
      %dma_wait3A = arith.constant 0 : i32
      %dma_wait3A_33 = arith.constant 0 : i32
      %dma_wait3A_34 = tpu.memref_slice %arg6[%dma_wait3A, %dma_wait3A_33] : memref<2x128xi32, #tpu.memory_space<vmem>> -> memref<1x128xi32, #tpu.memory_space<vmem>>
      %dma_wait3A_35 = tpu.memref_squeeze %dma_wait3A_34 : memref<1x128xi32, #tpu.memory_space<vmem>> -> memref<128xi32, #tpu.memory_space<vmem>>
      %dma_wait3A_36 = arith.constant 0 : i32
      %dma_wait3A_37 = arith.constant 0 : i32
      %dma_wait3A_38 = tpu.memref_slice %arg2[%dma_wait3A_36, %dma_wait3A_37] : memref<20032x128xf32, #tpu.memory_space<hbm>> -> memref<20032x128xf32, #tpu.memory_space<hbm>>
      tpu.wait_indirect_dma semaphore(%arg9 : memref<!tpu.dma_semaphore, #tpu.memory_space<semaphore_mem>>) src(%dma_wait3A_38 : memref<20032x128xf32, #tpu.memory_space<hbm>>) dst(%arg7 : memref<128x128xf32, #tpu.memory_space<vmem>>)
      %run_scoped3A = arith.constant 1 : i32
      "tpu.region"() ({
        %run_scoped3A_39 = tpu.sem_alloc : memref<!tpu.dma_semaphore, #tpu.memory_space<semaphore_mem>>
        %dma_start3A_40 = arith.constant 0 : i32
        %dma_start3A_41 = tpu.memref_slice %arg6[%run_scoped3A, %dma_start3A_40] : memref<2x128xi32, #tpu.memory_space<vmem>> -> memref<1x128xi32, #tpu.memory_space<vmem>>
        %dma_start3A_42 = tpu.memref_squeeze %dma_start3A_41 : memref<1x128xi32, #tpu.memory_space<vmem>> -> memref<128xi32, #tpu.memory_space<vmem>>
        %dma_start3A_43 = arith.constant 0 : i32
        %dma_start3A_44 = arith.constant 0 : i32
        %dma_start3A_45 = tpu.memref_slice %arg5[%dma_start3A_43, %dma_start3A_44] : memref<10240x128xf32, #tpu.memory_space<vmem_shared>> -> memref<10240x128xf32, #tpu.memory_space<vmem_shared>>
        tpu.enqueue_indirect_dma source(%arg7 : memref<128x128xf32, #tpu.memory_space<vmem>>) target(%dma_start3A_45 : memref<10240x128xf32, #tpu.memory_space<vmem_shared>>) offsets(%dma_start3A_42 : memref<128xi32, #tpu.memory_space<vmem>>) semaphore(%run_scoped3A_39 : memref<!tpu.dma_semaphore, #tpu.memory_space<semaphore_mem>>) {add = true}
        %dma_wait3A_46 = arith.constant 0 : i32
        %dma_wait3A_47 = tpu.memref_slice %arg6[%run_scoped3A, %dma_wait3A_46] : memref<2x128xi32, #tpu.memory_space<vmem>> -> memref<1x128xi32, #tpu.memory_space<vmem>>
        %dma_wait3A_48 = tpu.memref_squeeze %dma_wait3A_47 : memref<1x128xi32, #tpu.memory_space<vmem>> -> memref<128xi32, #tpu.memory_space<vmem>>
        %dma_wait3A_49 = arith.constant 0 : i32
        %dma_wait3A_50 = arith.constant 0 : i32
        %dma_wait3A_51 = tpu.memref_slice %arg5[%dma_wait3A_49, %dma_wait3A_50] : memref<10240x128xf32, #tpu.memory_space<vmem_shared>> -> memref<10240x128xf32, #tpu.memory_space<vmem_shared>>
        tpu.wait_indirect_dma semaphore(%run_scoped3A_39 : memref<!tpu.dma_semaphore, #tpu.memory_space<semaphore_mem>>) src(%arg7 : memref<128x128xf32, #tpu.memory_space<vmem>>) dst(%dma_wait3A_51 : memref<10240x128xf32, #tpu.memory_space<vmem_shared>>)
        tpu.yield
      }) : () -> ()
    }
    %scan3A_14 = arith.constant 160 : i32
    %barrier3A_15 = arith.constant 0 : index
    tpu.barrier barrier_id(%barrier3A_15)
    %mul3A_16 = arith.constant 640 : i32
    %mul3A_17 = arith.muli %arg1, %mul3A_16 : i32
    %mul3A_18 = arith.constant 640 : i32
    %mul3A_19 = arith.muli %arg1, %mul3A_18 : i32
    "tpu.region"() ({
      %run_scoped3A = tpu.sem_alloc : memref<!tpu.dma_semaphore, #tpu.memory_space<semaphore_mem>>
      %dma_start3A = arith.constant 0 : i32
      %dma_start3A_20 = tpu.memref_slice %arg4[%arg0, %mul3A_19, %dma_start3A] : memref<2x10240x128xf32, #tpu.memory_space<hbm>> -> memref<1x640x128xf32, #tpu.memory_space<hbm>>
      %dma_start3A_21 = tpu.memref_squeeze %dma_start3A_20 : memref<1x640x128xf32, #tpu.memory_space<hbm>> -> memref<640x128xf32, #tpu.memory_space<hbm>>
      %dma_start3A_22 = arith.constant 0 : i32
      %dma_start3A_23 = tpu.memref_slice %arg5[%mul3A_17, %dma_start3A_22] : memref<10240x128xf32, #tpu.memory_space<vmem_shared>> -> memref<640x128xf32, #tpu.memory_space<vmem_shared>>
      tpu.enqueue_dma source(%dma_start3A_23 : memref<640x128xf32, #tpu.memory_space<vmem_shared>>) target(%dma_start3A_21 : memref<640x128xf32, #tpu.memory_space<hbm>>) target_semaphore(%run_scoped3A : memref<!tpu.dma_semaphore, #tpu.memory_space<semaphore_mem>>)
      %dma_wait3A = arith.constant 0 : i32
      %dma_wait3A_24 = tpu.memref_slice %arg4[%arg0, %mul3A_19, %dma_wait3A] : memref<2x10240x128xf32, #tpu.memory_space<hbm>> -> memref<1x640x128xf32, #tpu.memory_space<hbm>>
      %dma_wait3A_25 = tpu.memref_squeeze %dma_wait3A_24 : memref<1x640x128xf32, #tpu.memory_space<hbm>> -> memref<640x128xf32, #tpu.memory_space<hbm>>
      %dma_wait3A_26 = arith.constant 0 : i32
      %dma_wait3A_27 = tpu.memref_slice %arg5[%mul3A_17, %dma_wait3A_26] : memref<10240x128xf32, #tpu.memory_space<vmem_shared>> -> memref<640x128xf32, #tpu.memory_space<vmem_shared>>
      tpu.wait_dma2 semaphore(%run_scoped3A : memref<!tpu.dma_semaphore, #tpu.memory_space<semaphore_mem>>) src(%dma_wait3A_27 : memref<640x128xf32, #tpu.memory_space<vmem_shared>>) dst(%dma_wait3A_25 : memref<640x128xf32, #tpu.memory_space<hbm>>)
      tpu.yield
    }) : () -> ()
    return
  }
}

module attributes {stable_mosaic.version = 14 : i64} {
  func.func @_l1_body(%arg0: i32, %arg1: memref<2x2000x128xf32, #tpu.memory_space<vmem>>, %arg2: memref<2000x128xf32, #tpu.memory_space<vmem>>, %arg3: memref<2x2000x16xf32, #tpu.memory_space<vmem>>, %arg4: memref<128x256xf32, #tpu.memory_space<vmem>>, %arg5: memref<1x256xf32, #tpu.memory_space<vmem>>, %arg6: memref<2x2000x128xf32, #tpu.memory_space<vmem>>) attributes {dimension_semantics = [#tpu.dimension_semantics<arbitrary>], iteration_bounds = array<i64: 5>, scalar_prefetch = 0 : i64, scratch_operands = 0 : i64, tpu.core_type = #tpu.core_type<tc>, window_params = [{transform_indices = @transform_0, window_bounds = array<i64: 2, 2000, 128>}, {transform_indices = @transform_1, window_bounds = array<i64: 2000, 128>}, {transform_indices = @transform_2, window_bounds = array<i64: 2, 2000, 16>}, {pipeline_mode = #tpu.pipeline_mode<synchronous>, transform_indices = @transform_3, window_bounds = array<i64: 128, 256>}, {pipeline_mode = #tpu.pipeline_mode<synchronous>, transform_indices = @transform_4, window_bounds = array<i64: 1, 256>}, {transform_indices = @transform_5, window_bounds = array<i64: 2, 2000, 128>}]} {
    %get3A = arith.constant 0 : index
    %get3A_0 = arith.constant 0 : index
    %get3A_1 = arith.constant 0 : index
    %get3A_2 = vector.load %arg3[%get3A, %get3A_0, %get3A_1] : memref<2x2000x16xf32, #tpu.memory_space<vmem>>, vector<2x2000x16xf32>
    %slice3A = vector.extract_strided_slice %get3A_2 {offsets = [0, 0, 0], sizes = [1, 2000, 1], strides = [1, 1, 1]} : vector<2x2000x16xf32> to vector<1x2000x1xf32>
    %squeeze3A = vector.shape_cast %slice3A : vector<1x2000x1xf32> to vector<2000x1xf32>
    %slice3A_3 = vector.extract_strided_slice %get3A_2 {offsets = [1, 0, 0], sizes = [1, 2000, 1], strides = [1, 1, 1]} : vector<2x2000x16xf32> to vector<1x2000x1xf32>
    %squeeze3A_4 = vector.shape_cast %slice3A_3 : vector<1x2000x1xf32> to vector<2000x1xf32>
    %add3A = arith.addf %squeeze3A, %squeeze3A_4 : vector<2000x1xf32>
    %add3A_5 = arith.constant 1.000000e+00 : f32
    %add3A_6 = vector.broadcast %add3A_5 : f32 to vector<2000x1xf32>
    %add3A_7 = arith.addf %add3A, %add3A_6 : vector<2000x1xf32>
    %rsqrt3A = math.rsqrt %add3A_7 : vector<2000x1xf32>
    %get3A_8 = arith.constant 0 : index
    %get3A_9 = arith.constant 0 : index
    %get3A_10 = arith.constant 0 : index
    %get3A_11 = vector.load %arg1[%get3A_8, %get3A_9, %get3A_10] : memref<2x2000x128xf32, #tpu.memory_space<vmem>>, vector<1x2000x128xf32>
    %get3A_12 = vector.shape_cast %get3A_11 : vector<1x2000x128xf32> to vector<2000x128xf32>
    %get3A_13 = arith.constant 1 : index
    %get3A_14 = arith.constant 0 : index
    %get3A_15 = arith.constant 0 : index
    %get3A_16 = vector.load %arg1[%get3A_13, %get3A_14, %get3A_15] : memref<2x2000x128xf32, #tpu.memory_space<vmem>>, vector<1x2000x128xf32>
    %get3A_17 = vector.shape_cast %get3A_16 : vector<1x2000x128xf32> to vector<2000x128xf32>
    %add3A_18 = arith.addf %get3A_12, %get3A_17 : vector<2000x128xf32>
    %get3A_19 = arith.constant 0 : index
    %get3A_20 = arith.constant 0 : index
    %get3A_21 = vector.load %arg2[%get3A_19, %get3A_20] : memref<2000x128xf32, #tpu.memory_space<vmem>>, vector<2000x128xf32>
    %add3A_22 = arith.addf %add3A_18, %get3A_21 : vector<2000x128xf32>
    %mul3A = vector.broadcast %rsqrt3A : vector<2000x1xf32> to vector<2000x128xf32>
    %mul3A_23 = arith.mulf %add3A_22, %mul3A : vector<2000x128xf32>
    %get3A_24 = arith.constant 0 : index
    %get3A_25 = arith.constant 0 : index
    %get3A_26 = vector.load %arg4[%get3A_24, %get3A_25] : memref<128x256xf32, #tpu.memory_space<vmem>>, vector<128x256xf32>
    %dot_general3A = arith.constant dense<0.000000e+00> : vector<2000x256xf32>
    %dot_general3A_27 = tpu.matmul %mul3A_23, %get3A_26, %dot_general3A {dimension_numbers = #tpu.dot_dimension_numbers<[1], [0], [0], [1], [0, 0, 1, 1], [], []>, precision = #tpu.contract_precision<fp32>, transpose_lhs_hint = false} : vector<2000x128xf32>, vector<128x256xf32>, vector<2000x256xf32> -> vector<2000x256xf32>
    %get3A_28 = arith.constant 0 : index
    %get3A_29 = arith.constant 0 : index
    %get3A_30 = vector.load %arg5[%get3A_28, %get3A_29] : memref<1x256xf32, #tpu.memory_space<vmem>>, vector<1x256xf32>
    %add3A_31 = vector.broadcast %get3A_30 : vector<1x256xf32> to vector<2000x256xf32>
    %add3A_32 = arith.addf %dot_general3A_27, %add3A_31 : vector<2000x256xf32>
    %max3A = arith.constant 0.000000e+00 : f32
    %max3A_33 = vector.broadcast %max3A : f32 to vector<2000x256xf32>
    %max3A_34 = arith.maximumf %add3A_32, %max3A_33 : vector<2000x256xf32>
    %mul3A_35 = vector.broadcast %rsqrt3A : vector<2000x1xf32> to vector<2000x256xf32>
    %mul3A_36 = arith.mulf %max3A_34, %mul3A_35 : vector<2000x256xf32>
    %slice3A_37 = vector.extract_strided_slice %mul3A_36 {offsets = [0, 0], sizes = [2000, 128], strides = [1, 1]} : vector<2000x256xf32> to vector<2000x128xf32>
    %swap3A = arith.constant 0 : index
    %swap3A_38 = arith.constant 0 : index
    %swap3A_39 = arith.constant 0 : index
    %swap3A_40 = vector.load %arg6[%swap3A, %swap3A_38, %swap3A_39] : memref<2x2000x128xf32, #tpu.memory_space<vmem>>, vector<1x2000x128xf32>
    %swap3A_41 = vector.shape_cast %swap3A_40 : vector<1x2000x128xf32> to vector<2000x128xf32>
    %swap3A_42 = vector.shape_cast %slice3A_37 : vector<2000x128xf32> to vector<1x2000x128xf32>
    tpu.vector_store %arg6[%swap3A, %swap3A_38, %swap3A_39], %swap3A_42 {strides = array<i32>} : memref<2x2000x128xf32, #tpu.memory_space<vmem>>, vector<1x2000x128xf32>,
    %slice3A_43 = vector.extract_strided_slice %mul3A_36 {offsets = [0, 128], sizes = [2000, 128], strides = [1, 1]} : vector<2000x256xf32> to vector<2000x128xf32>
    %swap3A_44 = arith.constant 1 : index
    %swap3A_45 = arith.constant 0 : index
    %swap3A_46 = arith.constant 0 : index
    %swap3A_47 = vector.load %arg6[%swap3A_44, %swap3A_45, %swap3A_46] : memref<2x2000x128xf32, #tpu.memory_space<vmem>>, vector<1x2000x128xf32>
    %swap3A_48 = vector.shape_cast %swap3A_47 : vector<1x2000x128xf32> to vector<2000x128xf32>
    %swap3A_49 = vector.shape_cast %slice3A_43 : vector<2000x128xf32> to vector<1x2000x128xf32>
    tpu.vector_store %arg6[%swap3A_44, %swap3A_45, %swap3A_46], %swap3A_49 {strides = array<i32>} : memref<2x2000x128xf32, #tpu.memory_space<vmem>>, vector<1x2000x128xf32>,
    return
  }
  func.func @transform_0(%arg0: i32) -> (i32, i32, i32) {
    %c0_i32 = arith.constant 0 : i32
    %c0_i32_0 = arith.constant 0 : i32
    %c0_i32_1 = arith.constant 0 : i32
    return %c0_i32, %arg0, %c0_i32_0 : i32, i32, i32
  }
  func.func @transform_1(%arg0: i32) -> (i32, i32) {
    %c0_i32 = arith.constant 0 : i32
    %c0_i32_0 = arith.constant 0 : i32
    return %arg0, %c0_i32 : i32, i32
  }
  func.func @transform_2(%arg0: i32) -> (i32, i32, i32) {
    %c0_i32 = arith.constant 0 : i32
    %c0_i32_0 = arith.constant 0 : i32
    %c0_i32_1 = arith.constant 0 : i32
    return %c0_i32, %arg0, %c0_i32_0 : i32, i32, i32
  }
  func.func @transform_3(%arg0: i32) -> (i32, i32) {
    %c0_i32 = arith.constant 0 : i32
    %c0_i32_0 = arith.constant 0 : i32
    %c0_i32_1 = arith.constant 0 : i32
    return %c0_i32, %c0_i32_0 : i32, i32
  }
  func.func @transform_4(%arg0: i32) -> (i32, i32) {
    %c0_i32 = arith.constant 0 : i32
    %c0_i32_0 = arith.constant 0 : i32
    %c0_i32_1 = arith.constant 0 : i32
    return %c0_i32, %c0_i32_0 : i32, i32
  }
  func.func @transform_5(%arg0: i32) -> (i32, i32, i32) {
    %c0_i32 = arith.constant 0 : i32
    %c0_i32_0 = arith.constant 0 : i32
    %c0_i32_1 = arith.constant 0 : i32
    return %c0_i32, %arg0, %c0_i32_0 : i32, i32, i32
  }
}

module attributes {stable_mosaic.version = 14 : i64} {
  func.func @_scale_body(%arg0: i32, %arg1: memref<2x2000x16xf32, #tpu.memory_space<vmem>>, %arg2: memref<2000x128xf32, #tpu.memory_space<vmem>>, %arg3: memref<2000x128xf32, #tpu.memory_space<vmem>>) attributes {dimension_semantics = [#tpu.dimension_semantics<arbitrary>], iteration_bounds = array<i64: 5>, scalar_prefetch = 0 : i64, scratch_operands = 0 : i64, tpu.core_type = #tpu.core_type<tc>, window_params = [{transform_indices = @transform_0, window_bounds = array<i64: 2, 2000, 16>}, {transform_indices = @transform_1, window_bounds = array<i64: 2000, 128>}, {transform_indices = @transform_2, window_bounds = array<i64: 2000, 128>}]} {
    %get3A = arith.constant 0 : index
    %get3A_0 = arith.constant 0 : index
    %get3A_1 = arith.constant 0 : index
    %get3A_2 = vector.load %arg1[%get3A, %get3A_0, %get3A_1] : memref<2x2000x16xf32, #tpu.memory_space<vmem>>, vector<2x2000x16xf32>
    %slice3A = vector.extract_strided_slice %get3A_2 {offsets = [0, 0, 0], sizes = [1, 2000, 1], strides = [1, 1, 1]} : vector<2x2000x16xf32> to vector<1x2000x1xf32>
    %squeeze3A = vector.shape_cast %slice3A : vector<1x2000x1xf32> to vector<2000x1xf32>
    %slice3A_3 = vector.extract_strided_slice %get3A_2 {offsets = [1, 0, 0], sizes = [1, 2000, 1], strides = [1, 1, 1]} : vector<2x2000x16xf32> to vector<1x2000x1xf32>
    %squeeze3A_4 = vector.shape_cast %slice3A_3 : vector<1x2000x1xf32> to vector<2000x1xf32>
    %add3A = arith.addf %squeeze3A, %squeeze3A_4 : vector<2000x1xf32>
    %add3A_5 = arith.constant 1.000000e+00 : f32
    %add3A_6 = vector.broadcast %add3A_5 : f32 to vector<2000x1xf32>
    %add3A_7 = arith.addf %add3A, %add3A_6 : vector<2000x1xf32>
    %rsqrt3A = math.rsqrt %add3A_7 : vector<2000x1xf32>
    %get3A_8 = arith.constant 0 : index
    %get3A_9 = arith.constant 0 : index
    %get3A_10 = vector.load %arg2[%get3A_8, %get3A_9] : memref<2000x128xf32, #tpu.memory_space<vmem>>, vector<2000x128xf32>
    %mul3A = vector.broadcast %rsqrt3A : vector<2000x1xf32> to vector<2000x128xf32>
    %mul3A_11 = arith.mulf %get3A_10, %mul3A : vector<2000x128xf32>
    %swap3A = arith.constant 0 : index
    %swap3A_12 = arith.constant 0 : index
    %swap3A_13 = vector.load %arg3[%swap3A, %swap3A_12] : memref<2000x128xf32, #tpu.memory_space<vmem>>, vector<2000x128xf32>
    tpu.vector_store %arg3[%swap3A, %swap3A_12], %mul3A_11 {strides = array<i32>} : memref<2000x128xf32, #tpu.memory_space<vmem>>, vector<2000x128xf32>,
    return
  }
  func.func @transform_0(%arg0: i32) -> (i32, i32, i32) {
    %c0_i32 = arith.constant 0 : i32
    %c0_i32_0 = arith.constant 0 : i32
    %c0_i32_1 = arith.constant 0 : i32
    return %c0_i32, %arg0, %c0_i32_0 : i32, i32, i32
  }
  func.func @transform_1(%arg0: i32) -> (i32, i32) {
    %c0_i32 = arith.constant 0 : i32
    %c0_i32_0 = arith.constant 0 : i32
    return %arg0, %c0_i32 : i32, i32
  }
  func.func @transform_2(%arg0: i32) -> (i32, i32) {
    %c0_i32 = arith.constant 0 : i32
    %c0_i32_0 = arith.constant 0 : i32
    return %arg0, %c0_i32 : i32, i32
  }
}

module attributes {stable_mosaic.version = 14 : i64} {
  func.func @_l2_body(%arg0: i32, %arg1: memref<2x2000x128xf32, #tpu.memory_space<vmem>>, %arg2: memref<2x2000x128xf32, #tpu.memory_space<vmem>>, %arg3: memref<2x2000x16xf32, #tpu.memory_space<vmem>>, %arg4: memref<256x256xf32, #tpu.memory_space<vmem>>, %arg5: memref<1x256xf32, #tpu.memory_space<vmem>>, %arg6: memref<256x7xf32, #tpu.memory_space<vmem>>, %arg7: memref<1x7xf32, #tpu.memory_space<vmem>>, %arg8: memref<1x7xf32, #tpu.memory_space<vmem>>, %arg9: memref<1x256xf32, #tpu.memory_space<vmem>>) attributes {dimension_semantics = [#tpu.dimension_semantics<arbitrary>], iteration_bounds = array<i64: 5>, scalar_prefetch = 0 : i64, scratch_operands = 1 : i64, tpu.core_type = #tpu.core_type<tc>, window_params = [{transform_indices = @transform_0, window_bounds = array<i64: 2, 2000, 128>}, {transform_indices = @transform_1, window_bounds = array<i64: 2, 2000, 128>}, {transform_indices = @transform_2, window_bounds = array<i64: 2, 2000, 16>}, {pipeline_mode = #tpu.pipeline_mode<synchronous>, transform_indices = @transform_3, window_bounds = array<i64: 256, 256>}, {pipeline_mode = #tpu.pipeline_mode<synchronous>, transform_indices = @transform_4, window_bounds = array<i64: 1, 256>}, {pipeline_mode = #tpu.pipeline_mode<synchronous>, transform_indices = @transform_5, window_bounds = array<i64: 256, 7>}, {pipeline_mode = #tpu.pipeline_mode<synchronous>, transform_indices = @transform_6, window_bounds = array<i64: 1, 7>}, {pipeline_mode = #tpu.pipeline_mode<synchronous>, transform_indices = @transform_7, window_bounds = array<i64: 1, 7>}]} {
    %get3A = arith.constant 0 : index
    %get3A_0 = arith.constant 0 : index
    %get3A_1 = arith.constant 0 : index
    %get3A_2 = vector.load %arg3[%get3A, %get3A_0, %get3A_1] : memref<2x2000x16xf32, #tpu.memory_space<vmem>>, vector<2x2000x16xf32>
    %slice3A = vector.extract_strided_slice %get3A_2 {offsets = [0, 0, 0], sizes = [1, 2000, 1], strides = [1, 1, 1]} : vector<2x2000x16xf32> to vector<1x2000x1xf32>
    %squeeze3A = vector.shape_cast %slice3A : vector<1x2000x1xf32> to vector<2000x1xf32>
    %slice3A_3 = vector.extract_strided_slice %get3A_2 {offsets = [1, 0, 0], sizes = [1, 2000, 1], strides = [1, 1, 1]} : vector<2x2000x16xf32> to vector<1x2000x1xf32>
    %squeeze3A_4 = vector.shape_cast %slice3A_3 : vector<1x2000x1xf32> to vector<2000x1xf32>
    %add3A = arith.addf %squeeze3A, %squeeze3A_4 : vector<2000x1xf32>
    %add3A_5 = arith.constant 1.000000e+00 : f32
    %add3A_6 = vector.broadcast %add3A_5 : f32 to vector<2000x1xf32>
    %add3A_7 = arith.addf %add3A, %add3A_6 : vector<2000x1xf32>
    %rsqrt3A = math.rsqrt %add3A_7 : vector<2000x1xf32>
    %get3A_8 = arith.constant 0 : index
    %get3A_9 = arith.constant 0 : index
    %get3A_10 = arith.constant 0 : index
    %get3A_11 = vector.load %arg1[%get3A_8, %get3A_9, %get3A_10] : memref<2x2000x128xf32, #tpu.memory_space<vmem>>, vector<2x2000x128xf32>
    %get3A_12 = arith.constant 0 : index
    %get3A_13 = arith.constant 0 : index
    %get3A_14 = arith.constant 0 : index
    %get3A_15 = vector.load %arg2[%get3A_12, %get3A_13, %get3A_14] : memref<2x2000x128xf32, #tpu.memory_space<vmem>>, vector<2x2000x128xf32>
    %add3A_16 = arith.addf %get3A_11, %get3A_15 : vector<2x2000x128xf32>
    %broadcast_in_dim3A = vector.shape_cast %rsqrt3A : vector<2000x1xf32> to vector<1x2000x1xf32>
    %mul3A = vector.broadcast %broadcast_in_dim3A : vector<1x2000x1xf32> to vector<2x2000x128xf32>
    %mul3A_17 = arith.mulf %add3A_16, %mul3A : vector<2x2000x128xf32>
    %slice3A_18 = vector.extract_strided_slice %mul3A_17 {offsets = [0, 0, 0], sizes = [1, 2000, 128], strides = [1, 1, 1]} : vector<2x2000x128xf32> to vector<1x2000x128xf32>
    %squeeze3A_19 = vector.shape_cast %slice3A_18 : vector<1x2000x128xf32> to vector<2000x128xf32>
    %slice3A_20 = vector.extract_strided_slice %mul3A_17 {offsets = [1, 0, 0], sizes = [1, 2000, 128], strides = [1, 1, 1]} : vector<2x2000x128xf32> to vector<1x2000x128xf32>
    %squeeze3A_21 = vector.shape_cast %slice3A_20 : vector<1x2000x128xf32> to vector<2000x128xf32>
    %concatenate3A = tpu.concatenate %squeeze3A_19, %squeeze3A_21 in 1 : vector<2000x128xf32>, vector<2000x128xf32> -> vector<2000x256xf32>
    %get3A_22 = arith.constant 0 : index
    %get3A_23 = arith.constant 0 : index
    %get3A_24 = vector.load %arg4[%get3A_22, %get3A_23] : memref<256x256xf32, #tpu.memory_space<vmem>>, vector<256x256xf32>
    %dot_general3A = arith.constant dense<0.000000e+00> : vector<2000x256xf32>
    %dot_general3A_25 = tpu.matmul %concatenate3A, %get3A_24, %dot_general3A {dimension_numbers = #tpu.dot_dimension_numbers<[1], [0], [0], [1], [0, 0, 1, 1], [], []>, precision = #tpu.contract_precision<fp32>, transpose_lhs_hint = false} : vector<2000x256xf32>, vector<256x256xf32>, vector<2000x256xf32> -> vector<2000x256xf32>
    %get3A_26 = arith.constant 0 : index
    %get3A_27 = arith.constant 0 : index
    %get3A_28 = vector.load %arg5[%get3A_26, %get3A_27] : memref<1x256xf32, #tpu.memory_space<vmem>>, vector<1x256xf32>
    %add3A_29 = vector.broadcast %get3A_28 : vector<1x256xf32> to vector<2000x256xf32>
    %add3A_30 = arith.addf %dot_general3A_25, %add3A_29 : vector<2000x256xf32>
    %max3A = arith.constant 0.000000e+00 : f32
    %max3A_31 = vector.broadcast %max3A : f32 to vector<2000x256xf32>
    %max3A_32 = arith.maximumf %add3A_30, %max3A_31 : vector<2000x256xf32>
    %reduce_sum3A = arith.constant dense<0.000000e+00> : vector<256xf32>
    %reduce_sum3A_33 = vector.multi_reduction <add>, %max3A_32, %reduce_sum3A [0] : vector<2000x256xf32> to vector<256xf32>
    %broadcast_in_dim3A_34 = vector.shape_cast %reduce_sum3A_33 : vector<256xf32> to vector<1x256xf32>
    %eq3A = arith.constant 0 : i32
    %eq3A_35 = arith.cmpi eq, %arg0, %eq3A : i32
    %convert_element_type3A = arith.extui %eq3A_35 : i1 to i32
    %cond3A = arith.constant 0 : i32
    %cond3A_36 = arith.cmpi ne, %convert_element_type3A, %cond3A : i32
    scf.if %cond3A_36 {
      %swap3A = arith.constant 0 : index
      %swap3A_46 = arith.constant 0 : index
      %swap3A_47 = vector.load %arg9[%swap3A, %swap3A_46] : memref<1x256xf32, #tpu.memory_space<vmem>>, vector<1x256xf32>
      tpu.vector_store %arg9[%swap3A, %swap3A_46], %broadcast_in_dim3A_34 {strides = array<i32>} : memref<1x256xf32, #tpu.memory_space<vmem>>, vector<1x256xf32>,
    } else {
    }
    %ne3A = arith.constant 0 : i32
    %ne3A_37 = arith.cmpi ne, %arg0, %ne3A : i32
    %convert_element_type3A_38 = arith.extui %ne3A_37 : i1 to i32
    %cond3A_39 = arith.constant 0 : i32
    %cond3A_40 = arith.cmpi ne, %convert_element_type3A_38, %cond3A_39 : i32
    scf.if %cond3A_40 {
      %get3A_46 = arith.constant 0 : index
      %get3A_47 = arith.constant 0 : index
      %get3A_48 = vector.load %arg9[%get3A_46, %get3A_47] : memref<1x256xf32, #tpu.memory_space<vmem>>, vector<1x256xf32>
      %add3A_49 = arith.addf %get3A_48, %broadcast_in_dim3A_34 : vector<1x256xf32>
      %swap3A = arith.constant 0 : index
      %swap3A_50 = arith.constant 0 : index
      %swap3A_51 = vector.load %arg9[%swap3A, %swap3A_50] : memref<1x256xf32, #tpu.memory_space<vmem>>, vector<1x256xf32>
      tpu.vector_store %arg9[%swap3A, %swap3A_50], %add3A_49 {strides = array<i32>} : memref<1x256xf32, #tpu.memory_space<vmem>>, vector<1x256xf32>,
    } else {
    }
    %eq3A_41 = arith.constant 4 : i32
    %eq3A_42 = arith.cmpi eq, %arg0, %eq3A_41 : i32
    %convert_element_type3A_43 = arith.extui %eq3A_42 : i1 to i32
    %cond3A_44 = arith.constant 0 : i32
    %cond3A_45 = arith.cmpi ne, %convert_element_type3A_43, %cond3A_44 : i32
    scf.if %cond3A_45 {
      %get3A_46 = arith.constant 0 : index
      %get3A_47 = arith.constant 0 : index
      %get3A_48 = vector.load %arg9[%get3A_46, %get3A_47] : memref<1x256xf32, #tpu.memory_space<vmem>>, vector<1x256xf32>
      %mul3A_49 = arith.constant 9.99999974E-5 : f32
      %mul3A_50 = vector.broadcast %mul3A_49 : f32 to vector<1x256xf32>
      %mul3A_51 = arith.mulf %get3A_48, %mul3A_50 : vector<1x256xf32>
      %get3A_52 = arith.constant 0 : index
      %get3A_53 = arith.constant 0 : index
      %get3A_54 = vector.load %arg6[%get3A_52, %get3A_53] : memref<256x7xf32, #tpu.memory_space<vmem>>, vector<256x7xf32>
      %dot_general3A_55 = arith.constant dense<0.000000e+00> : vector<1x7xf32>
      %dot_general3A_56 = tpu.matmul %mul3A_51, %get3A_54, %dot_general3A_55 {dimension_numbers = #tpu.dot_dimension_numbers<[1], [0], [0], [1], [0, 0, 1, 1], [], []>, precision = #tpu.contract_precision<fp32>, transpose_lhs_hint = false} : vector<1x256xf32>, vector<256x7xf32>, vector<1x7xf32> -> vector<1x7xf32>
      %get3A_57 = arith.constant 0 : index
      %get3A_58 = arith.constant 0 : index
      %get3A_59 = vector.load %arg7[%get3A_57, %get3A_58] : memref<1x7xf32, #tpu.memory_space<vmem>>, vector<1x7xf32>
      %add3A_60 = arith.addf %dot_general3A_56, %get3A_59 : vector<1x7xf32>
      %swap3A = arith.constant 0 : index
      %swap3A_61 = arith.constant 0 : index
      %swap3A_62 = vector.load %arg8[%swap3A, %swap3A_61] : memref<1x7xf32, #tpu.memory_space<vmem>>, vector<1x7xf32>
      tpu.vector_store %arg8[%swap3A, %swap3A_61], %add3A_60 {strides = array<i32>} : memref<1x7xf32, #tpu.memory_space<vmem>>, vector<1x7xf32>,
    } else {
    }
    return
  }
  func.func @transform_0(%arg0: i32) -> (i32, i32, i32) {
    %c0_i32 = arith.constant 0 : i32
    %c0_i32_0 = arith.constant 0 : i32
    %c0_i32_1 = arith.constant 0 : i32
    return %c0_i32, %arg0, %c0_i32_0 : i32, i32, i32
  }
  func.func @transform_1(%arg0: i32) -> (i32, i32, i32) {
    %c0_i32 = arith.constant 0 : i32
    %c0_i32_0 = arith.constant 0 : i32
    %c0_i32_1 = arith.constant 0 : i32
    return %c0_i32, %arg0, %c0_i32_0 : i32, i32, i32
  }
  func.func @transform_2(%arg0: i32) -> (i32, i32, i32) {
    %c0_i32 = arith.constant 0 : i32
    %c0_i32_0 = arith.constant 0 : i32
    %c0_i32_1 = arith.constant 0 : i32
    return %c0_i32, %arg0, %c0_i32_0 : i32, i32, i32
  }
  func.func @transform_3(%arg0: i32) -> (i32, i32) {
    %c0_i32 = arith.constant 0 : i32
    %c0_i32_0 = arith.constant 0 : i32
    %c0_i32_1 = arith.constant 0 : i32
    return %c0_i32, %c0_i32_0 : i32, i32
  }
  func.func @transform_4(%arg0: i32) -> (i32, i32) {
    %c0_i32 = arith.constant 0 : i32
    %c0_i32_0 = arith.constant 0 : i32
    %c0_i32_1 = arith.constant 0 : i32
    return %c0_i32, %c0_i32_0 : i32, i32
  }
  func.func @transform_5(%arg0: i32) -> (i32, i32) {
    %c0_i32 = arith.constant 0 : i32
    %c0_i32_0 = arith.constant 0 : i32
    %c0_i32_1 = arith.constant 0 : i32
    return %c0_i32, %c0_i32_0 : i32, i32
  }
  func.func @transform_6(%arg0: i32) -> (i32, i32) {
    %c0_i32 = arith.constant 0 : i32
    %c0_i32_0 = arith.constant 0 : i32
    %c0_i32_1 = arith.constant 0 : i32
    return %c0_i32, %c0_i32_0 : i32, i32
  }
  func.func @transform_7(%arg0: i32) -> (i32, i32) {
    %c0_i32 = arith.constant 0 : i32
    %c0_i32_0 = arith.constant 0 : i32
    %c0_i32_1 = arith.constant 0 : i32
    return %c0_i32, %c0_i32_0 : i32, i32
  }
}

</mosaic_0001>

<sc_bundles>
// kernel: kernel.11.cloned.1.call-start
scs
__scs_entry_jumppad:
0x0: {  	(pc) =	sbr.rel $0x88, $3  }
0x1: {  	(tag) =	ssettag $0x0;
	lr =	simm.s32 $0x1  }
0x2: {  	[smem:$0x3F99] =	sst lr;
	_ =	strace $0xD0000000  }
0x3: {  	_ = 	snop  }
0x4: {  	_ = 	snop  }
0x5: {  	_ = 	snop  }
0x6: {  	_ = 	snop  }
0x7: {  	_ = 	snop  }
__scs_overlays_trampoline_lowered:
0x8: {  	[smem:$0x3FA8] =	sst s0  }
0x9: {  	[smem:$0x3FA9] =	sst s1  }
0xa: {  	[smem:$0x3FAA] =	sst s2  }
0xb: {  	[smem:$0x3FAB] =	sst s3  }
0xc: {  	[smem:$0x3FAC] =	sst s4  }
0xd: {  	[smem:$0x3FAD] =	sst s5  }
0xe: {  	[smem:$0x3FAE] =	sst s6  }
0xf: {  	[smem:$0x3FAF] =	sst s7  }
0x10: {  	[smem:$0x3FB0] =	sst s8  }
0x11: {  	[smem:$0x3FB1] =	sst s9;
	s0 =	simm.s32 @!p0 $0x0  }
0x12: {  	s1 =	sld [smem:$0x3F97];
	s0 =	simm.s32 @p0 $0x1  }
0x13: {  	[smem:$0x3FB2] =	sst s0;
	s0 =	simm.s32 @!p1 $0x0  }
0x14: {  	s2 =	sld [smem:$0x3F96];
	s0 =	simm.s32 @p1 $0x1  }
0x15: {  	[smem:$0x3FB3] =	sst s0;
	s0 =	simm.s32 @!p2 $0x0  }
0x16: {  	s3 =	sld [smem:$0x3FDB];
	s0 =	simm.s32 @p2 $0x1  }
0x17: {  	s4 =	simm.s32 $0x1BF5;
	[smem:$0x3FB5] =	sst s0  }
0x18: {  	s0 =	sld [smem:$0x3F98];
	_ =	swait.ge [sflag:s4], $0x0  }
0x19: {  	s7 =	sld [smem:$0x3F99]  }
0x1a: {  	s8 =	sadd.s32 $0xFFFFE003, lr  }
0x1b: {  	s9 =	sadd.s32 $0xFFFFFEF7, lr;
	s5 =	simm.s32 $0xFFFFFFFF;
	p2 =	slt.u32 s8, $0xFFFFF086  }
0x1c: {  	p1 =	slt.u32 s9, $0xF7A;
	s5 =	simm.s32 @!p2 $0x0  }
0x1d: {  	s5 =	simm.s32 @p1 $0x1;
	p0 =	seq.s32 s7, s2  }
0x1e: {  	s7 =	smul.u32 @!p0 $0xF7A, s2;
	p2 =	seq.s32 @!p0 s5, $0x0  }
0x1f: {  	s9 =	smul.u32 $0xF7A, s1;
	s8 =	simm.s32 @!p0 $0x1BF5;
	p2 =	por !p2, p0  }
0x20: {  	[sflag:s8] =	ssyncset.s32 @!p0 $0xFFFFF086;
	s6 =	sadd.s32 @!p0 s3, s7;
	s7 =	simm.s32 @!p0 $0x108  }
0x21: {  	s3 =	sadd.s32 s3, s9;
	s6 =	sadd.s32 @!p0 $0x88, s6;
	s7 =	simm.s32 @p2 $0x1082  }
0x22: {  	[simem:s7], [sflag:s8] =	dma.local @!p0 [hbm:s6], $0xF7A  }
0x23: {  	s9 =	sor.u32 $0xD0000000, s2;
	s6 =	simm.s32 $0x108;
	_ =	swait.ge @!p0 [sflag:s8], $0x0  }
0x24: {  	s3 =	sadd.s32 $0x88, s3;
	s6 =	simm.s32 @!p1 $0x1082;
	[sflag:s4] =	ssyncset.s32 $0xFFFFF086  }
0x25: {  	[simem:s6], [sflag:s4] =	dma.local [hbm:s3], $0xF7A  }
0x26: {  	[smem:$0x3F99] =	sst s1;
	(tag) =	ssettag s2;
	_ =	strace s9  }
0x27: {  	s1 =	sld [smem:$0x3FA9]  }
0x28: {  	s2 =	sld [smem:$0x3FAA]  }
0x29: {  	s4 =	sld [smem:$0x3FAC]  }
0x2a: {  	p0 =	seq.s32 s5, $0x0;
	s5 =	sld [smem:$0x3FAD]  }
0x2b: {  	s6 =	sld [smem:$0x3FAE]  }
0x2c: {  	s7 =	sld [smem:$0x3FAF]  }
0x2d: {  	s3 =	simm.s32 $0x108;
	s8 =	sld [smem:$0x3FB0]  }
0x2e: {  	s3 =	simm.s32 @!p0 $0x1082;
	s9 =	sld [smem:$0x3FB1]  }
0x2f: {  	lr =	sadd.s32 s0, s3;
	s0 =	sld [smem:$0x3FA8]  }
0x30: {  	s3 =	sld [smem:$0x3FAB]  }
0x31: {  	[smem:$0x3FB4] =	sst s10  }
0x32: {  	s10 =	sld [smem:$0x3FB2];
	_ =	sdelay $0x3  }
0x33: {  	p0 =	seq.s32 s10, $0x1;
	s10 =	sld [smem:$0x3FB4];
	_ =	sdelay $0x3  }
0x34: {  	[smem:$0x3FB4] =	sst s10  }
0x35: {  	s10 =	sld [smem:$0x3FB3];
	_ =	sdelay $0x3  }
0x36: {  	p1 =	seq.s32 s10, $0x1;
	s10 =	sld [smem:$0x3FB4];
	_ =	sdelay $0x3  }
0x37: {  	[smem:$0x3FB4] =	sst s10  }
0x38: {  	s10 =	sld [smem:$0x3FB5]  }
0x39: {  	_ = 	snop;
	(pc) =	sbr.ind lr, $3  }
0x3a: {  	_ = 	snop  }
0x3b: {  	_ = 	snop  }
0x3c: {  	p2 =	seq.s32 s10, $0x1;
	s10 =	sld [smem:$0x3FB4]  }
0x3d: {  	_ =	shalt  }
0x3e: {  	_ =	shalt  }
0x3f: {  	_ =	shalt  }
0x40: {  	_ =	shalt  }
0x41: {  	_ =	shalt  }
0x42: {  	_ =	shalt  }
0x43: {  	_ =	shalt  }
0x44: {  	_ =	shalt  }
0x45: {  	_ =	shalt  }
0x46: {  	_ =	shalt  }
0x47: {  	_ =	shalt  }
0x48: {  	_ =	shalt  }
0x49: {  	_ =	shalt  }
0x4a: {  	_ =	shalt  }
0x4b: {  	_ =	shalt  }
0x4c: {  	_ =	shalt  }
0x4d: {  	_ =	shalt  }
0x4e: {  	_ =	shalt  }
0x4f: {  	_ =	shalt  }
0x50: {  	_ =	shalt  }
0x51: {  	_ =	shalt  }
0x52: {  	_ =	shalt  }
0x53: {  	_ =	shalt  }
0x54: {  	_ =	shalt  }
0x55: {  	_ =	shalt  }
0x56: {  	_ =	shalt  }
0x57: {  	_ =	shalt  }
0x58: {  	_ =	shalt  }
0x59: {  	_ =	shalt  }
0x5a: {  	_ =	shalt  }
0x5b: {  	_ =	shalt  }
0x5c: {  	_ =	shalt  }
0x5d: {  	_ =	shalt  }
0x5e: {  	_ =	shalt  }
0x5f: {  	_ =	shalt  }
0x60: {  	_ =	shalt  }
0x61: {  	_ =	shalt  }
0x62: {  	_ =	shalt  }
0x63: {  	_ =	shalt  }
0x64: {  	_ =	shalt  }
0x65: {  	_ =	shalt  }
0x66: {  	_ =	shalt  }
0x67: {  	_ =	shalt  }
0x68: {  	_ =	shalt  }
0x69: {  	_ =	shalt  }
0x6a: {  	_ =	shalt  }
0x6b: {  	_ =	shalt  }
0x6c: {  	_ =	shalt  }
0x6d: {  	_ =	shalt  }
0x6e: {  	_ =	shalt  }
0x6f: {  	_ =	shalt  }
0x70: {  	_ =	shalt  }
0x71: {  	_ =	shalt  }
0x72: {  	_ =	shalt  }
0x73: {  	_ =	shalt  }
0x74: {  	_ =	shalt  }
0x75: {  	_ =	shalt  }
0x76: {  	_ =	shalt  }
0x77: {  	_ =	shalt  }
0x78: {  	_ =	shalt  }
0x79: {  	_ =	shalt  }
0x7a: {  	_ =	shalt  }
0x7b: {  	_ =	shalt  }
0x7c: {  	_ =	shalt  }
0x7d: {  	_ =	shalt  }
0x7e: {  	_ =	shalt  }
0x7f: {  	_ =	shalt  }
0x80: {  	_ =	shalt  }
0x81: {  	_ =	shalt  }
0x82: {  	_ =	shalt  }
0x83: {  	_ =	shalt  }
0x84: {  	_ =	shalt  }
0x85: {  	_ =	shalt  }
0x86: {  	_ =	shalt  }
0x87: {  	_ =	shalt  }
.Lfunc_end0:
.L_simem_size_0:
called_computation.1_lowered:
.L_overlay_start_0:
0x88: {  	s2 =	sld [smem:$0x3FD9]  }
0x89: {  	s3 =	sld [smem:$0x3FFE];
	_ =	sdelay $0x1  }
0x8a: {  	s1 =	srdreg.scid  }
0x8b: {  	s0 =	sand.u32 $0x1, s1  }
0x8c: {  	s16 =	sshll.u32 s0, $0xA;
	s2 =	sadd.s32 s3, s2  }
0x8d: {  	s2 =	sadd.s32 s2, s16  }
0x8e: {  	[smem:$0x3FC0] =	sst s2  }
0x8f: {  	_ = 	snop  }
0x90: {  	(tm) =	ssettm $0x1  }
0x91: {  	s17 =	sld [smem:$0x3FFB];
	_ =	sdelay $0x3  }
0x92: {  	_ =	strace s17  }
0x93: {  	s2 =	sld [smem:$0x3FFC];
	_ =	sdelay $0x3  }
0x94: {  	_ =	strace s2  }
0x95: {  	s2 =	sld [smem:$0x3FFD];
	_ =	sdelay $0x3  }
0x96: {  	_ =	strace s2  }
0x97: {  	_ =	strace $0x8FFFFFFF  }
0x98: {  	s18 =	sld [smem:$0x3FDB];
	_ =	sdelay $0x1  }
0x99: {  	s19 =	simm.s32 $_scs_section_size  }
0x9a: {  	s4 =	simm.s32 $_size__tile_overlayer_lowered;
	s5 =	simm.s32 $_tile_overlayer_lowered  }
0x9b: {  	s22 =	simm.s32 $0x1BFF;
	s21 =	sshll.u32 s5, $0x1;
	s2 =	sadd.s32 s19, s18  }
0x9c: {  	s6 =	simm.s32 $0x0;
	s20 =	sshll.u32 s4, $0x1;
	s4 =	sadd.s32 s21, s2  }
0x9d: {  	[timem:s6], [sflag:s22] =	dma.local [hbm:s4], s20  }
0x9e: {  	_ =	swait.ge [sflag:s22], s20  }
0x9f: {  	s3 =	ssub.s32 $0x0, s20;
	[sflag:s22] =	ssyncset.done $0x0  }
0xa0: {  	[sflag:s22] =	ssyncadd.s32 s3;
	_ =	sdelay $0x1  }
0xa1: {  	s23 =	simm.s32 $0x1B8B  }
0xa2: {  	_ =	swait.ge [sflag:s23], $0x1  }
0xa3: {  	[sflag:s23] =	ssyncset.done $0x0  }
0xa4: {  	s25 =	simm.s32 $0x1B8E;
	s24 =	sld [smem:$0x3FFE];
	[sflag:s23] =	ssyncadd.s32 $0xFFFFFFFF  }
0xa5: {  	s26 =	simm.s32 $execute0_lowered;
	[smem:$0x3FD2] =	sst s25  }
0xa6: {  	s4 =	sshll.u32 s26, $0x1;
	_ =	strace $0x80000049;
	[dreg:$0x1] =	wrdreg $0xFFFFFFFF  }
0xa7: {  	s28 =	simm.s32 $_size_execute0_lowered;
	s2 =	sadd.s32 s2, s4;
	[dreg:$0x0] =	wrdreg $0x0  }
0xa8: {  	s4 =	sshll.u32 s28, $0x1;
	[dreg:$0x2] =	wrdreg s2  }
0xa9: {  	[dreg:$0x3] =	wrdreg s4  }
0xaa: {  	[dreg:$0x4] =	wrdreg $0xC0  }
0xab: {  	_ =	task [dreg:s6], $0x5FFFF  }
0xac: {  	[dreg:$0x1] =	wrdreg $0xFFFFFFFF  }
0xad: {  	[dreg:$0x0] =	wrdreg $0x60  }
0xae: {  	[dreg:$0x2] =	wrdreg s24  }
0xaf: {  	[dreg:$0x3] =	wrdreg $0x0  }
0xb0: {  	[dreg:$0x4] =	wrdreg $0x9  }
0xb1: {  	_ =	task.clear_ibuf [dreg:s6], $0x5FFFF;
	_ =	strace $0x90000049  }
0xb2: {  	s29 =	simm.s32 $0x9;
	_ =	strace $0x8000004B  }
0xb3: {  	_ =	swait.ge [sflag:s29], $0x1  }
0xb4: {  	[sflag:s29] =	ssyncadd.s32 $0xFFFFFFFF  }
0xb5: {  	_ =	strace $0x9000004B  }
0xb6: {  	_ =	sfence  }
0xb7: {  	s30 =	sld [smem:$0x0];
	_ =	sdelay $0x2  }
0xb8: {  	s31 =	sshll.u32 s1, $0xD;
	s1 =	sshrl.u32 s1, $0x2  }
0xb9: {  	s3 =	sand.u32 $0x4000, s31;
	s1 =	sadd.s32 s1, s30  }
0xba: {  	s0 =	sor.u32 s3, s0;
	s1 =	sshll.u32 s1, $0x11  }
0xbb: {  	s0 =	sor.u32 s1, s0  }
0xbc: {  	s0 =	sadd.s32 $0x8F2B, s0  }
0xbd: {  	[sflag:s0] =	ssyncadd.remote.s32 $0x1  }
0xbe: {  	_ =	sfence.sel $0xFFFF  }
0xbf: {  	[dreg:$0x0] =	wrdreg $0xFFFFFFFF;
	(pc) =	sbr.abs _section_cstart, $3  }
0xc0: {  	[dreg:$0x1] =	wrdreg $0xFFFFFFFF  }
0xc1: {  	_ =	task.clear_ibuf [dreg:s6], $0x2FFFF;
	_ =	strace $0x9FFFFFFF  }
0xc2: {  	(tm) =	ssettm $0x7FFFFFFF  }
0xc3: {  	_ =	shalt  }
tec
execute0_lowered:
.L_overlay_start_1:
0x0: {  	(tag) =	ssettag $0x1  }
0x1: {  	s5 =	rddreg [dreg:$0x0]  }
0x2: {  	s1 =	rddreg [dreg:$0x1];
	s2 =	srdreg.scid  }
0x3: {  	s0 =	rddreg [dreg:$0x2];
	s3 =	simm.s32 $0x0;
	s19 =	simm.s32 $0x2  }
0x4: {  	s20 =	simm.s32 $0x14000;
	s21 =	simm.s32 $0x80;
	s6 =	sand.u32 $0x1, s2  }
0x5: {  	s22 =	simm.s32 $0x14100;
	s2 =	stileid.u32;
	s7 =	smul.u32 $0x140000, s6  }
0x6: {  	s23 =	simm.s32 $0x1;
	s24 =	simm.s32 $0x14080;
	s8 =	smul.u32 $0x14000, s2  }
0x7: {  	s25 =	simm.s32 $0x0;
	[smem:$0x7FF] =	sst s3;
	s9 =	smul.u32 $0xA000, s6  }
0x8: {  	s4 =	sadd.s32 $0x7B200, s5;
	s29 =	smul.u32 $0x50000, s2;
	s6 =	ssub.s32 $0x2, s6  }
0x9: {  	_ =	strace $0x8000004A;
	s18 =	smul.u32 $0xA00, s2;
	s30 =	sshrl.u32 s6, $0x1  }
0xa: {  	s7 =	sadd.s32 s8, s7;
	s17 =	sadd.s32 s9, s5;
	s8 =	sshrl.u32 s29, $0x2  }
0xb: {  	s31 =	ssub.s32 s6, s30;
	s7 =	sshrl.u32 s7, $0x3;
	s17 =	sadd.s32 s18, s17  }
0xc: {  	s18 =	simm.s32 $0x18100;
	s7 =	sadd.s32 s7, s5;
	s5 =	sadd.s32 s8, s1  }
0xd: {  	s17 =	sadd.s32 $0x3200, s17;
	s6 =	sadd.s32 $0xA2400, s7;
	s7 =	smax.u32 s31, $0x1  }
0xe: {  	s8 =	sadd.s32 $0x2000, s5;
	s9 =	sadd.s32 $0x4000, s5;
	s10 =	sadd.s32 $0x6000, s5  }
0xf: {  	s11 =	sadd.s32 $0x8000, s5;
	s12 =	sadd.s32 $0xA000, s5;
	s13 =	sadd.s32 $0xC000, s5  }
0x10: {  	v0 =	vimm.f32 $0.0e+00;
	s14 =	sadd.s32 $0xE000, s5;
	s15 =	sadd.s32 $0x10000, s5;
	s16 =	sadd.s32 $0x12000, s5  }
.LBB2_1:
0x11: {  	s26 =	simm.s32 $0x0;
	s28 =	simm.s32 $0x200  }
.LBB2_2:
0x12: {  	p0 =	sne.s32 s28, $0x7E00;
	[tilespmem:s26+$0x18170] =	vst v0  }
0x13: {  	[tilespmem:s26+$0x18100] =	vst v0  }
0x14: {  	[tilespmem:s26+$0x18110] =	vst v0  }
.Ltmp0:
0x15: {  	[tilespmem:s26+$0x18120] =	vst v0;
	(pc) =	sbr.rel @p0 .LBB2_2-.Ltmp0, $4  }
0x16: {  	[tilespmem:s26+$0x18130] =	vst v0  }
0x17: {  	[tilespmem:s26+$0x18140] =	vst v0  }
0x18: {  	[tilespmem:s26+$0x18150] =	vst v0  }
0x19: {  	[tilespmem:s26+$0x18160] =	vst v0;
	s26 =	sshra.s32 s28, $0x2;
	s28 =	sadd.s32 $0x200, s28  }
0x1a: {  	[tilespmem:s26+$0x18170] =	vst v0  }
0x1b: {  	[tilespmem:s26+$0x18100] =	vst v0  }
0x1c: {  	[tilespmem:s26+$0x18110] =	vst v0  }
0x1d: {  	[tilespmem:s26+$0x18120] =	vst v0  }
0x1e: {  	[tilespmem:s26+$0x18130] =	vst v0  }
0x1f: {  	[tilespmem:s26+$0x18140] =	vst v0  }
0x20: {  	[tilespmem:s26+$0x18150] =	vst v0  }
0x21: {  	[tilespmem:s26+$0x18160] =	vst v0  }
0x22: {  	[spmem:s5] =	stream.linear.scatter [tilespmem:s18], [sflag:$0x2], $0x2000, $0x38;
	[tilespmem:$0x1A100] =	vst v63  }
0x23: {  	_ =	swait.ge [sflag:s19], $0x2000  }
0x24: {  	[sflag:s19] =	ssyncset.done $0x0  }
0x25: {  	[sflag:s19] =	ssyncadd.s32 $0xFFFFE000  }
0x26: {  	[spmem:s8] =	stream.linear.scatter [tilespmem:s18], [sflag:$0x2], $0x2000, $0x38;
	[tilespmem:$0x1A100] =	vst v63  }
0x27: {  	_ =	swait.ge [sflag:s19], $0x2000  }
0x28: {  	[sflag:s19] =	ssyncset.done $0x0  }
0x29: {  	[sflag:s19] =	ssyncadd.s32 $0xFFFFE000  }
0x2a: {  	[spmem:s9] =	stream.linear.scatter [tilespmem:s18], [sflag:$0x2], $0x2000, $0x38;
	[tilespmem:$0x1A100] =	vst v63  }
0x2b: {  	_ =	swait.ge [sflag:s19], $0x2000  }
0x2c: {  	[sflag:s19] =	ssyncset.done $0x0  }
0x2d: {  	[sflag:s19] =	ssyncadd.s32 $0xFFFFE000  }
0x2e: {  	[spmem:s10] =	stream.linear.scatter [tilespmem:s18], [sflag:$0x2], $0x2000, $0x38;
	[tilespmem:$0x1A100] =	vst v63  }
0x2f: {  	_ =	swait.ge [sflag:s19], $0x2000  }
0x30: {  	[sflag:s19] =	ssyncset.done $0x0  }
0x31: {  	[sflag:s19] =	ssyncadd.s32 $0xFFFFE000  }
0x32: {  	[spmem:s11] =	stream.linear.scatter [tilespmem:s18], [sflag:$0x2], $0x2000, $0x38;
	[tilespmem:$0x1A100] =	vst v63  }
0x33: {  	_ =	swait.ge [sflag:s19], $0x2000  }
0x34: {  	[sflag:s19] =	ssyncset.done $0x0  }
0x35: {  	[sflag:s19] =	ssyncadd.s32 $0xFFFFE000  }
0x36: {  	[spmem:s12] =	stream.linear.scatter [tilespmem:s18], [sflag:$0x2], $0x2000, $0x38;
	[tilespmem:$0x1A100] =	vst v63  }
0x37: {  	_ =	swait.ge [sflag:s19], $0x2000  }
0x38: {  	[sflag:s19] =	ssyncset.done $0x0  }
0x39: {  	[sflag:s19] =	ssyncadd.s32 $0xFFFFE000  }
0x3a: {  	[spmem:s13] =	stream.linear.scatter [tilespmem:s18], [sflag:$0x2], $0x2000, $0x38;
	[tilespmem:$0x1A100] =	vst v63  }
0x3b: {  	_ =	swait.ge [sflag:s19], $0x2000  }
0x3c: {  	[sflag:s19] =	ssyncset.done $0x0  }
0x3d: {  	[sflag:s19] =	ssyncadd.s32 $0xFFFFE000  }
0x3e: {  	[spmem:s14] =	stream.linear.scatter [tilespmem:s18], [sflag:$0x2], $0x2000, $0x38;
	[tilespmem:$0x1A100] =	vst v63  }
0x3f: {  	_ =	swait.ge [sflag:s19], $0x2000  }
0x40: {  	[sflag:s19] =	ssyncset.done $0x0  }
0x41: {  	[sflag:s19] =	ssyncadd.s32 $0xFFFFE000  }
0x42: {  	[spmem:s15] =	stream.linear.scatter [tilespmem:s18], [sflag:$0x2], $0x2000, $0x38;
	[tilespmem:$0x1A100] =	vst v63  }
0x43: {  	_ =	swait.ge [sflag:s19], $0x2000  }
0x44: {  	[sflag:s19] =	ssyncset.done $0x0  }
0x45: {  	[sflag:s19] =	ssyncadd.s32 $0xFFFFE000  }
0x46: {  	[spmem:s16] =	stream.linear.scatter [tilespmem:s18], [sflag:$0x2], $0x2000, $0x38;
	[tilespmem:$0x1A100] =	vst v63  }
0x47: {  	_ =	swait.ge [sflag:s19], $0x2000  }
0x48: {  	[sflag:s19] =	ssyncset.done $0x0  }
0x49: {  	[sflag:s19] =	ssyncadd.s32 $0xFFFFE000  }
0x4a: {  	s31 =	sadd.s32 $0x0, s17;
	[bflag:$0x0] =	sbarrier.arrive $0xFFFF  }
0x4b: {  	[tilespmem:s20], [sflag:$0x2] =	stream.linear.gather [hbm4b:s31+s3], $0x100, $0x38;
	[tilespmem:$0x1A100] =	vst v63  }
0x4c: {  	_ =	swait.ge [sflag:s19], $0x100  }
0x4d: {  	[sflag:s19] =	ssyncset.done $0x0  }
0x4e: {  	[sflag:s19] =	ssyncadd.s32 $0xFFFFFF00  }
0x4f: {  	[tilespmem:s22], [sflag:$0x1] =	stream.indirect.gather [hbm4b:s4+s21], $0x80, s20, s21, $0xb8;
	[tilespmem:$0x1A100] =	vst v63  }
0x50: {  	_ =	swait.ge [sflag:s23], $0x4000  }
0x51: {  	[sflag:s23] =	ssyncset.done $0x0  }
0x52: {  	[sflag:s23] =	ssyncadd.s32 $0xFFFFC000  }
0x53: {  	[spmem:s1] =	stream.indirect.scatter.add.f32 [tilespmem:s22], [sflag:$0x2], $0x80, s24, s21, $0xb8;
	[tilespmem:$0x1A100] =	vst v63  }
0x54: {  	_ =	swait.ge [sflag:s19], $0x4000  }
0x55: {  	s26 =	simm.s32 $0x20;
	s28 =	simm.s32 $0x40;
	[sflag:s19] =	ssyncset.done $0x0  }
.LBB2_4:
0x56: {  	s29 =	sadd.s32 s26, s17  }
0x57: {  	[sflag:s19] =	ssyncadd.s32 $0xFFFFC000;
	s26 =	smov.u32 s28;
	s30 =	sadd.s32 $0x20, s28  }
0x58: {  	[tilespmem:s20], [sflag:$0x2] =	stream.linear.gather [hbm4b:s29+s3], $0x100, $0x38;
	[tilespmem:$0x1A100] =	vst v63  }
0x59: {  	p0 =	sne.s32 s28, $0x9E0;
	_ =	swait.ge [sflag:s19], $0x100  }
0x5a: {  	[sflag:s19] =	ssyncset.done $0x0  }
0x5b: {  	[sflag:s19] =	ssyncadd.s32 $0xFFFFFF00  }
0x5c: {  	[tilespmem:s22], [sflag:$0x1] =	stream.indirect.gather [hbm4b:s4+s21], $0x80, s20, s21, $0xb8;
	[tilespmem:$0x1A100] =	vst v63  }
0x5d: {  	_ =	swait.ge [sflag:s23], $0x4000  }
.Ltmp1:
0x5e: {  	[sflag:s23] =	ssyncset.done $0x0;
	(pc) =	sbr.rel @p0 .LBB2_4-.Ltmp1, $4  }
0x5f: {  	[sflag:s23] =	ssyncadd.s32 $0xFFFFC000  }
0x60: {  	[spmem:s1] =	stream.indirect.scatter.add.f32 [tilespmem:s22], [sflag:$0x2], $0x80, s24, s21, $0xb8;
	[tilespmem:$0x1A100] =	vst v63  }
0x61: {  	_ =	swait.ge [sflag:s19], $0x4000  }
0x62: {  	s28 =	smov.u32 s30;
	[sflag:s19] =	ssyncset.done $0x0  }
0x63: {  	s26 =	sadd.s32 s26, s17;
	[sflag:s19] =	ssyncadd.s32 $0xFFFFC000  }
0x64: {  	[tilespmem:s20], [sflag:$0x2] =	stream.linear.gather [hbm4b:s26+s3], $0x100, $0x38;
	[tilespmem:$0x1A100] =	vst v63  }
0x65: {  	_ =	swait.ge [sflag:s19], $0x100  }
0x66: {  	[sflag:s19] =	ssyncset.done $0x0  }
0x67: {  	[sflag:s19] =	ssyncadd.s32 $0xFFFFFF00  }
0x68: {  	[tilespmem:s22], [sflag:$0x1] =	stream.indirect.gather [hbm4b:s4+s21], $0x80, s20, s21, $0xb8;
	[tilespmem:$0x1A100] =	vst v63  }
0x69: {  	_ =	swait.ge [sflag:s23], $0x4000  }
0x6a: {  	[sflag:s23] =	ssyncset.done $0x0  }
0x6b: {  	[sflag:s23] =	ssyncadd.s32 $0xFFFFC000  }
0x6c: {  	[spmem:s1] =	stream.indirect.scatter.add.f32 [tilespmem:s22], [sflag:$0x2], $0x80, s24, s21, $0xb8;
	[tilespmem:$0x1A100] =	vst v63  }
0x6d: {  	_ =	swait.ge [sflag:s19], $0x4000  }
0x6e: {  	s31 =	sshll.u32 s2, $0x6;
	s25 =	sadd.s32 $0x1, s25;
	[sflag:s19] =	ssyncset.done $0x0  }
0x6f: {  	s28 =	sshrl.u32 s5, $0x3;
	p0 =	sne.s32 s25, s7;
	[sflag:s19] =	ssyncadd.s32 $0xFFFFC000  }
.Ltmp2:
0x70: {  	s26 =	sor.u32 $0x1C02, s31;
	[bflag:$0x0] =	sbarrier.arrive $0xFFFF;
	(pc) =	sbr.rel @p0 .LBB2_1-.Ltmp2, $4  }
0x71: {  	[hbm:s6], [sflag:s26] =	dma.local [spmem:s28], $0x2800  }
0x72: {  	_ =	swait.ge [sflag:s19], $0x2800  }
0x73: {  	[sflag:s19] =	ssyncset.done $0x0  }
0x74: {  	[sflag:s19] =	ssyncadd.s32 $0xFFFFD800  }
0x75: {  	_ =	sfence.sel $0x180000  }
0x76: {  	[bflag:$0x0] =	sbarrier.arrive $0xFFFF  }
0x77: {  	p0 =	sne.s32 s2, $0x0;
	_ =	strace $0x9000004A  }
0x78: {  	s0 =	sadd.s32 @!p0 $0x100000, s0;
	[bflag:$0x2] =	sbarrier.arrive $0xFFFF  }
0x79: {  	[sflag:s0] =	ssyncadd.tile.s32 @!p0 $0x1;
	_ =	shalt  }
.Lfunc_end2:
_tile_overlayer_lowered:
.L_overlay_start_2:
0x7a: {  	(tag) =	ssettag $0x2  }
0x7b: {  	s0 =	rddreg [dreg:$0x0];
	s2 =	stileid.u32  }
0x7c: {  	s1 =	rddreg [dreg:$0x1];
	p0 =	sne.s32 s2, $0x0  }
0x7d: {  	s3 =	rddreg [dreg:$0x2];
	[bflag:$0x3] =	sbarrier.arrive $0xFFFF;
	s2 =	simm.s32 @!p0 $0x1C02  }
0x7e: {  	[timem:s3], [sflag:s2] =	dma.local @!p0 [hbm:s0], s1  }
0x7f: {  	s0 =	simm.s32 @!p0 $0x2  }
0x80: {  	_ =	swait.ge @!p0 [sflag:s0], s1  }
0x81: {  	s1 =	ssub.s32 @!p0 $0x0, s1;
	[sflag:s0] =	ssyncset.done @!p0 $0x0  }
0x82: {  	[sflag:s0] =	ssyncadd.s32 @!p0 s1  }
0x83: {  	[bflag:$0x3] =	sbarrier.arrive $0xFFFF  }
0x84: {  	_ =	shalt  }

// kernel: kernel.14.cloned.1.call-start
scs
__scs_entry_jumppad:
0x0: {  	(pc) =	sbr.rel $0x88, $3  }
0x1: {  	(tag) =	ssettag $0x0;
	lr =	simm.s32 $0x1  }
0x2: {  	[smem:$0x3F99] =	sst lr;
	_ =	strace $0xD0000000  }
0x3: {  	_ = 	snop  }
0x4: {  	_ = 	snop  }
0x5: {  	_ = 	snop  }
0x6: {  	_ = 	snop  }
0x7: {  	_ = 	snop  }
__scs_overlays_trampoline_lowered:
0x8: {  	[smem:$0x3FA8] =	sst s0  }
0x9: {  	[smem:$0x3FA9] =	sst s1  }
0xa: {  	[smem:$0x3FAA] =	sst s2  }
0xb: {  	[smem:$0x3FAB] =	sst s3  }
0xc: {  	[smem:$0x3FAC] =	sst s4  }
0xd: {  	[smem:$0x3FAD] =	sst s5  }
0xe: {  	[smem:$0x3FAE] =	sst s6  }
0xf: {  	[smem:$0x3FAF] =	sst s7  }
0x10: {  	[smem:$0x3FB0] =	sst s8  }
0x11: {  	[smem:$0x3FB1] =	sst s9;
	s0 =	simm.s32 @!p0 $0x0  }
0x12: {  	s1 =	sld [smem:$0x3F97];
	s0 =	simm.s32 @p0 $0x1  }
0x13: {  	[smem:$0x3FB2] =	sst s0;
	s0 =	simm.s32 @!p1 $0x0  }
0x14: {  	s2 =	sld [smem:$0x3F96];
	s0 =	simm.s32 @p1 $0x1  }
0x15: {  	[smem:$0x3FB3] =	sst s0;
	s0 =	simm.s32 @!p2 $0x0  }
0x16: {  	s3 =	sld [smem:$0x3FDB];
	s0 =	simm.s32 @p2 $0x1  }
0x17: {  	s4 =	simm.s32 $0x1BF5;
	[smem:$0x3FB5] =	sst s0  }
0x18: {  	s0 =	sld [smem:$0x3F98];
	_ =	swait.ge [sflag:s4], $0x0  }
0x19: {  	s7 =	sld [smem:$0x3F99]  }
0x1a: {  	s8 =	sadd.s32 $0xFFFFE003, lr  }
0x1b: {  	s9 =	sadd.s32 $0xFFFFFEF7, lr;
	s5 =	simm.s32 $0xFFFFFFFF;
	p2 =	slt.u32 s8, $0xFFFFF086  }
0x1c: {  	p1 =	slt.u32 s9, $0xF7A;
	s5 =	simm.s32 @!p2 $0x0  }
0x1d: {  	s5 =	simm.s32 @p1 $0x1;
	p0 =	seq.s32 s7, s2  }
0x1e: {  	s7 =	smul.u32 @!p0 $0xF7A, s2;
	p2 =	seq.s32 @!p0 s5, $0x0  }
0x1f: {  	s9 =	smul.u32 $0xF7A, s1;
	s8 =	simm.s32 @!p0 $0x1BF5;
	p2 =	por !p2, p0  }
0x20: {  	[sflag:s8] =	ssyncset.s32 @!p0 $0xFFFFF086;
	s6 =	sadd.s32 @!p0 s3, s7;
	s7 =	simm.s32 @!p0 $0x108  }
0x21: {  	s3 =	sadd.s32 s3, s9;
	s6 =	sadd.s32 @!p0 $0x88, s6;
	s7 =	simm.s32 @p2 $0x1082  }
0x22: {  	[simem:s7], [sflag:s8] =	dma.local @!p0 [hbm:s6], $0xF7A  }
0x23: {  	s9 =	sor.u32 $0xD0000000, s2;
	s6 =	simm.s32 $0x108;
	_ =	swait.ge @!p0 [sflag:s8], $0x0  }
0x24: {  	s3 =	sadd.s32 $0x88, s3;
	s6 =	simm.s32 @!p1 $0x1082;
	[sflag:s4] =	ssyncset.s32 $0xFFFFF086  }
0x25: {  	[simem:s6], [sflag:s4] =	dma.local [hbm:s3], $0xF7A  }
0x26: {  	[smem:$0x3F99] =	sst s1;
	(tag) =	ssettag s2;
	_ =	strace s9  }
0x27: {  	s1 =	sld [smem:$0x3FA9]  }
0x28: {  	s2 =	sld [smem:$0x3FAA]  }
0x29: {  	s4 =	sld [smem:$0x3FAC]  }
0x2a: {  	p0 =	seq.s32 s5, $0x0;
	s5 =	sld [smem:$0x3FAD]  }
0x2b: {  	s6 =	sld [smem:$0x3FAE]  }
0x2c: {  	s7 =	sld [smem:$0x3FAF]  }
0x2d: {  	s3 =	simm.s32 $0x108;
	s8 =	sld [smem:$0x3FB0]  }
0x2e: {  	s3 =	simm.s32 @!p0 $0x1082;
	s9 =	sld [smem:$0x3FB1]  }
0x2f: {  	lr =	sadd.s32 s0, s3;
	s0 =	sld [smem:$0x3FA8]  }
0x30: {  	s3 =	sld [smem:$0x3FAB]  }
0x31: {  	[smem:$0x3FB4] =	sst s10  }
0x32: {  	s10 =	sld [smem:$0x3FB2];
	_ =	sdelay $0x3  }
0x33: {  	p0 =	seq.s32 s10, $0x1;
	s10 =	sld [smem:$0x3FB4];
	_ =	sdelay $0x3  }
0x34: {  	[smem:$0x3FB4] =	sst s10  }
0x35: {  	s10 =	sld [smem:$0x3FB3];
	_ =	sdelay $0x3  }
0x36: {  	p1 =	seq.s32 s10, $0x1;
	s10 =	sld [smem:$0x3FB4];
	_ =	sdelay $0x3  }
0x37: {  	[smem:$0x3FB4] =	sst s10  }
0x38: {  	s10 =	sld [smem:$0x3FB5]  }
0x39: {  	_ = 	snop;
	(pc) =	sbr.ind lr, $3  }
0x3a: {  	_ = 	snop  }
0x3b: {  	_ = 	snop  }
0x3c: {  	p2 =	seq.s32 s10, $0x1;
	s10 =	sld [smem:$0x3FB4]  }
0x3d: {  	_ =	shalt  }
0x3e: {  	_ =	shalt  }
0x3f: {  	_ =	shalt  }
0x40: {  	_ =	shalt  }
0x41: {  	_ =	shalt  }
0x42: {  	_ =	shalt  }
0x43: {  	_ =	shalt  }
0x44: {  	_ =	shalt  }
0x45: {  	_ =	shalt  }
0x46: {  	_ =	shalt  }
0x47: {  	_ =	shalt  }
0x48: {  	_ =	shalt  }
0x49: {  	_ =	shalt  }
0x4a: {  	_ =	shalt  }
0x4b: {  	_ =	shalt  }
0x4c: {  	_ =	shalt  }
0x4d: {  	_ =	shalt  }
0x4e: {  	_ =	shalt  }
0x4f: {  	_ =	shalt  }
0x50: {  	_ =	shalt  }
0x51: {  	_ =	shalt  }
0x52: {  	_ =	shalt  }
0x53: {  	_ =	shalt  }
0x54: {  	_ =	shalt  }
0x55: {  	_ =	shalt  }
0x56: {  	_ =	shalt  }
0x57: {  	_ =	shalt  }
0x58: {  	_ =	shalt  }
0x59: {  	_ =	shalt  }
0x5a: {  	_ =	shalt  }
0x5b: {  	_ =	shalt  }
0x5c: {  	_ =	shalt  }
0x5d: {  	_ =	shalt  }
0x5e: {  	_ =	shalt  }
0x5f: {  	_ =	shalt  }
0x60: {  	_ =	shalt  }
0x61: {  	_ =	shalt  }
0x62: {  	_ =	shalt  }
0x63: {  	_ =	shalt  }
0x64: {  	_ =	shalt  }
0x65: {  	_ =	shalt  }
0x66: {  	_ =	shalt  }
0x67: {  	_ =	shalt  }
0x68: {  	_ =	shalt  }
0x69: {  	_ =	shalt  }
0x6a: {  	_ =	shalt  }
0x6b: {  	_ =	shalt  }
0x6c: {  	_ =	shalt  }
0x6d: {  	_ =	shalt  }
0x6e: {  	_ =	shalt  }
0x6f: {  	_ =	shalt  }
0x70: {  	_ =	shalt  }
0x71: {  	_ =	shalt  }
0x72: {  	_ =	shalt  }
0x73: {  	_ =	shalt  }
0x74: {  	_ =	shalt  }
0x75: {  	_ =	shalt  }
0x76: {  	_ =	shalt  }
0x77: {  	_ =	shalt  }
0x78: {  	_ =	shalt  }
0x79: {  	_ =	shalt  }
0x7a: {  	_ =	shalt  }
0x7b: {  	_ =	shalt  }
0x7c: {  	_ =	shalt  }
0x7d: {  	_ =	shalt  }
0x7e: {  	_ =	shalt  }
0x7f: {  	_ =	shalt  }
0x80: {  	_ =	shalt  }
0x81: {  	_ =	shalt  }
0x82: {  	_ =	shalt  }
0x83: {  	_ =	shalt  }
0x84: {  	_ =	shalt  }
0x85: {  	_ =	shalt  }
0x86: {  	_ =	shalt  }
0x87: {  	_ =	shalt  }
.Lfunc_end0:
.L_simem_size_0:
called_computation.2_lowered:
.L_overlay_start_0:
0x88: {  	s2 =	sld [smem:$0x3FD9]  }
0x89: {  	s3 =	sld [smem:$0x3FFE];
	_ =	sdelay $0x1  }
0x8a: {  	s1 =	srdreg.scid  }
0x8b: {  	s0 =	sand.u32 $0x1, s1  }
0x8c: {  	s16 =	sshll.u32 s0, $0xA;
	s2 =	sadd.s32 s3, s2  }
0x8d: {  	s2 =	sadd.s32 s2, s16  }
0x8e: {  	[smem:$0x3FC0] =	sst s2  }
0x8f: {  	_ = 	snop  }
0x90: {  	(tm) =	ssettm $0x1  }
0x91: {  	s17 =	sld [smem:$0x3FFB];
	_ =	sdelay $0x3  }
0x92: {  	_ =	strace s17  }
0x93: {  	s2 =	sld [smem:$0x3FFC];
	_ =	sdelay $0x3  }
0x94: {  	_ =	strace s2  }
0x95: {  	s2 =	sld [smem:$0x3FFD];
	_ =	sdelay $0x3  }
0x96: {  	_ =	strace s2  }
0x97: {  	_ =	strace $0x8FFFFFFF  }
0x98: {  	s18 =	sld [smem:$0x3FDB];
	_ =	sdelay $0x1  }
0x99: {  	s19 =	simm.s32 $_scs_section_size  }
0x9a: {  	s4 =	simm.s32 $_size__tile_overlayer_lowered;
	s5 =	simm.s32 $_tile_overlayer_lowered  }
0x9b: {  	s22 =	simm.s32 $0x1BFF;
	s21 =	sshll.u32 s5, $0x1;
	s2 =	sadd.s32 s19, s18  }
0x9c: {  	s6 =	simm.s32 $0x0;
	s20 =	sshll.u32 s4, $0x1;
	s4 =	sadd.s32 s21, s2  }
0x9d: {  	[timem:s6], [sflag:s22] =	dma.local [hbm:s4], s20  }
0x9e: {  	_ =	swait.ge [sflag:s22], s20  }
0x9f: {  	s3 =	ssub.s32 $0x0, s20;
	[sflag:s22] =	ssyncset.done $0x0  }
0xa0: {  	[sflag:s22] =	ssyncadd.s32 s3;
	_ =	sdelay $0x1  }
0xa1: {  	s23 =	simm.s32 $0x1B8B  }
0xa2: {  	_ =	swait.ge [sflag:s23], $0x1  }
0xa3: {  	[sflag:s23] =	ssyncset.done $0x0  }
0xa4: {  	s25 =	simm.s32 $0x1B8E;
	s24 =	sld [smem:$0x3FFE];
	[sflag:s23] =	ssyncadd.s32 $0xFFFFFFFF  }
0xa5: {  	s26 =	simm.s32 $execute0_lowered;
	[smem:$0x3FD2] =	sst s25  }
0xa6: {  	s4 =	sshll.u32 s26, $0x1;
	_ =	strace $0x8000004C;
	[dreg:$0x1] =	wrdreg $0xFFFFFFFF  }
0xa7: {  	s28 =	simm.s32 $_size_execute0_lowered;
	s2 =	sadd.s32 s2, s4;
	[dreg:$0x0] =	wrdreg $0x0  }
0xa8: {  	s4 =	sshll.u32 s28, $0x1;
	[dreg:$0x2] =	wrdreg s2  }
0xa9: {  	[dreg:$0x3] =	wrdreg s4  }
0xaa: {  	[dreg:$0x4] =	wrdreg $0xC0  }
0xab: {  	_ =	task [dreg:s6], $0x5FFFF  }
0xac: {  	[dreg:$0x1] =	wrdreg $0xFFFFFFFF  }
0xad: {  	[dreg:$0x0] =	wrdreg $0x60  }
0xae: {  	[dreg:$0x2] =	wrdreg s24  }
0xaf: {  	[dreg:$0x3] =	wrdreg $0x0  }
0xb0: {  	[dreg:$0x4] =	wrdreg $0x9  }
0xb1: {  	_ =	task.clear_ibuf [dreg:s6], $0x5FFFF;
	_ =	strace $0x9000004C  }
0xb2: {  	s29 =	simm.s32 $0x9;
	_ =	strace $0x8000004E  }
0xb3: {  	_ =	swait.ge [sflag:s29], $0x1  }
0xb4: {  	[sflag:s29] =	ssyncadd.s32 $0xFFFFFFFF  }
0xb5: {  	_ =	strace $0x9000004E  }
0xb6: {  	_ =	sfence  }
0xb7: {  	s30 =	sld [smem:$0x0];
	_ =	sdelay $0x2  }
0xb8: {  	s31 =	sshll.u32 s1, $0xD;
	s1 =	sshrl.u32 s1, $0x2  }
0xb9: {  	s3 =	sand.u32 $0x4000, s31;
	s1 =	sadd.s32 s1, s30  }
0xba: {  	s0 =	sor.u32 s3, s0;
	s1 =	sshll.u32 s1, $0x11  }
0xbb: {  	s0 =	sor.u32 s1, s0  }
0xbc: {  	s0 =	sadd.s32 $0x8F2B, s0  }
0xbd: {  	[sflag:s0] =	ssyncadd.remote.s32 $0x1  }
0xbe: {  	_ =	sfence.sel $0xFFFF  }
0xbf: {  	[dreg:$0x0] =	wrdreg $0xFFFFFFFF;
	(pc) =	sbr.abs _section_cstart, $3  }
0xc0: {  	[dreg:$0x1] =	wrdreg $0xFFFFFFFF  }
0xc1: {  	_ =	task.clear_ibuf [dreg:s6], $0x2FFFF;
	_ =	strace $0x9FFFFFFF  }
0xc2: {  	(tm) =	ssettm $0x7FFFFFFF  }
0xc3: {  	_ =	shalt  }
tec
execute0_lowered:
.L_overlay_start_1:
0x0: {  	(tag) =	ssettag $0x1  }
0x1: {  	s5 =	rddreg [dreg:$0x0]  }
0x2: {  	s2 =	rddreg [dreg:$0x1]  }
0x3: {  	s0 =	srdreg.scid;
	s1 =	rddreg [dreg:$0x2]  }
0x4: {  	s3 =	simm.s32 $0x0;
	s18 =	simm.s32 $0x18100;
	s6 =	sand.u32 $0x1, s0  }
0x5: {  	s19 =	simm.s32 $0x2;
	s0 =	stileid.u32;
	s4 =	smul.u32 $0xA0000, s6  }
0x6: {  	s20 =	simm.s32 $0x14000;
	s21 =	simm.s32 $0x80;
	s7 =	smul.u32 $0xA000, s0  }
0x7: {  	s22 =	simm.s32 $0x14100;
	s23 =	simm.s32 $0x1;
	s8 =	smul.u32 $0x140000, s6  }
0x8: {  	s24 =	simm.s32 $0x14080;
	s25 =	simm.s32 $0x0;
	s9 =	smul.u32 $0x14000, s0  }
0x9: {  	[smem:$0x7FF] =	sst s3;
	s6 =	ssub.s32 $0x2, s6;
	s28 =	smul.u32 $0x50000, s0  }
0xa: {  	_ =	strace $0x8000004D;
	s30 =	sshrl.u32 s6, $0x1;
	s7 =	sadd.s32 s7, s4  }
0xb: {  	s4 =	sadd.s32 $0x7B200, s5;
	s8 =	sadd.s32 s9, s8;
	s31 =	sshrl.u32 s28, $0x2  }
0xc: {  	s7 =	sshrl.u32 s7, $0x3;
	s29 =	sshrl.u32 s8, $0x3;
	s8 =	ssub.s32 s6, s30  }
0xd: {  	s17 =	sadd.s32 s7, s5;
	s7 =	sadd.s32 s29, s5;
	s5 =	sadd.s32 s31, s2  }
0xe: {  	s6 =	sadd.s32 $0xC9600, s7;
	s7 =	smax.u32 s8, $0x1;
	s8 =	sadd.s32 $0x2000, s5  }
0xf: {  	s9 =	sadd.s32 $0x4000, s5;
	s10 =	sadd.s32 $0x6000, s5;
	s11 =	sadd.s32 $0x8000, s5  }
0x10: {  	s12 =	sadd.s32 $0xA000, s5;
	s13 =	sadd.s32 $0xC000, s5;
	s14 =	sadd.s32 $0xE000, s5  }
0x11: {  	v0 =	vimm.f32 $0.0e+00;
	s15 =	sadd.s32 $0x10000, s5;
	s16 =	sadd.s32 $0x12000, s5;
	s17 =	sadd.s32 $0x3200, s17  }
.LBB2_1:
0x12: {  	s26 =	simm.s32 $0x0;
	s28 =	simm.s32 $0x200  }
.LBB2_2:
0x13: {  	p0 =	sne.s32 s28, $0x7E00;
	[tilespmem:s26+$0x18170] =	vst v0  }
0x14: {  	[tilespmem:s26+$0x18100] =	vst v0  }
0x15: {  	[tilespmem:s26+$0x18110] =	vst v0  }
.Ltmp0:
0x16: {  	[tilespmem:s26+$0x18120] =	vst v0;
	(pc) =	sbr.rel @p0 .LBB2_2-.Ltmp0, $4  }
0x17: {  	[tilespmem:s26+$0x18130] =	vst v0  }
0x18: {  	[tilespmem:s26+$0x18140] =	vst v0  }
0x19: {  	[tilespmem:s26+$0x18150] =	vst v0  }
0x1a: {  	[tilespmem:s26+$0x18160] =	vst v0;
	s26 =	sshra.s32 s28, $0x2;
	s28 =	sadd.s32 $0x200, s28  }
0x1b: {  	[tilespmem:s26+$0x18170] =	vst v0  }
0x1c: {  	[tilespmem:s26+$0x18100] =	vst v0  }
0x1d: {  	[tilespmem:s26+$0x18110] =	vst v0  }
0x1e: {  	[tilespmem:s26+$0x18120] =	vst v0  }
0x1f: {  	[tilespmem:s26+$0x18130] =	vst v0  }
0x20: {  	[tilespmem:s26+$0x18140] =	vst v0  }
0x21: {  	[tilespmem:s26+$0x18150] =	vst v0  }
0x22: {  	[tilespmem:s26+$0x18160] =	vst v0  }
0x23: {  	[spmem:s5] =	stream.linear.scatter [tilespmem:s18], [sflag:$0x2], $0x2000, $0x38;
	[tilespmem:$0x1A100] =	vst v63  }
0x24: {  	_ =	swait.ge [sflag:s19], $0x2000  }
0x25: {  	[sflag:s19] =	ssyncset.done $0x0  }
0x26: {  	[sflag:s19] =	ssyncadd.s32 $0xFFFFE000  }
0x27: {  	[spmem:s8] =	stream.linear.scatter [tilespmem:s18], [sflag:$0x2], $0x2000, $0x38;
	[tilespmem:$0x1A100] =	vst v63  }
0x28: {  	_ =	swait.ge [sflag:s19], $0x2000  }
0x29: {  	[sflag:s19] =	ssyncset.done $0x0  }
0x2a: {  	[sflag:s19] =	ssyncadd.s32 $0xFFFFE000  }
0x2b: {  	[spmem:s9] =	stream.linear.scatter [tilespmem:s18], [sflag:$0x2], $0x2000, $0x38;
	[tilespmem:$0x1A100] =	vst v63  }
0x2c: {  	_ =	swait.ge [sflag:s19], $0x2000  }
0x2d: {  	[sflag:s19] =	ssyncset.done $0x0  }
0x2e: {  	[sflag:s19] =	ssyncadd.s32 $0xFFFFE000  }
0x2f: {  	[spmem:s10] =	stream.linear.scatter [tilespmem:s18], [sflag:$0x2], $0x2000, $0x38;
	[tilespmem:$0x1A100] =	vst v63  }
0x30: {  	_ =	swait.ge [sflag:s19], $0x2000  }
0x31: {  	[sflag:s19] =	ssyncset.done $0x0  }
0x32: {  	[sflag:s19] =	ssyncadd.s32 $0xFFFFE000  }
0x33: {  	[spmem:s11] =	stream.linear.scatter [tilespmem:s18], [sflag:$0x2], $0x2000, $0x38;
	[tilespmem:$0x1A100] =	vst v63  }
0x34: {  	_ =	swait.ge [sflag:s19], $0x2000  }
0x35: {  	[sflag:s19] =	ssyncset.done $0x0  }
0x36: {  	[sflag:s19] =	ssyncadd.s32 $0xFFFFE000  }
0x37: {  	[spmem:s12] =	stream.linear.scatter [tilespmem:s18], [sflag:$0x2], $0x2000, $0x38;
	[tilespmem:$0x1A100] =	vst v63  }
0x38: {  	_ =	swait.ge [sflag:s19], $0x2000  }
0x39: {  	[sflag:s19] =	ssyncset.done $0x0  }
0x3a: {  	[sflag:s19] =	ssyncadd.s32 $0xFFFFE000  }
0x3b: {  	[spmem:s13] =	stream.linear.scatter [tilespmem:s18], [sflag:$0x2], $0x2000, $0x38;
	[tilespmem:$0x1A100] =	vst v63  }
0x3c: {  	_ =	swait.ge [sflag:s19], $0x2000  }
0x3d: {  	[sflag:s19] =	ssyncset.done $0x0  }
0x3e: {  	[sflag:s19] =	ssyncadd.s32 $0xFFFFE000  }
0x3f: {  	[spmem:s14] =	stream.linear.scatter [tilespmem:s18], [sflag:$0x2], $0x2000, $0x38;
	[tilespmem:$0x1A100] =	vst v63  }
0x40: {  	_ =	swait.ge [sflag:s19], $0x2000  }
0x41: {  	[sflag:s19] =	ssyncset.done $0x0  }
0x42: {  	[sflag:s19] =	ssyncadd.s32 $0xFFFFE000  }
0x43: {  	[spmem:s15] =	stream.linear.scatter [tilespmem:s18], [sflag:$0x2], $0x2000, $0x38;
	[tilespmem:$0x1A100] =	vst v63  }
0x44: {  	_ =	swait.ge [sflag:s19], $0x2000  }
0x45: {  	[sflag:s19] =	ssyncset.done $0x0  }
0x46: {  	[sflag:s19] =	ssyncadd.s32 $0xFFFFE000  }
0x47: {  	[spmem:s16] =	stream.linear.scatter [tilespmem:s18], [sflag:$0x2], $0x2000, $0x38;
	[tilespmem:$0x1A100] =	vst v63  }
0x48: {  	_ =	swait.ge [sflag:s19], $0x2000  }
0x49: {  	[sflag:s19] =	ssyncset.done $0x0  }
0x4a: {  	[sflag:s19] =	ssyncadd.s32 $0xFFFFE000  }
0x4b: {  	s31 =	sadd.s32 $0x0, s17;
	[bflag:$0x0] =	sbarrier.arrive $0xFFFF  }
0x4c: {  	[tilespmem:s20], [sflag:$0x2] =	stream.linear.gather [hbm4b:s31+s3], $0x100, $0x38;
	[tilespmem:$0x1A100] =	vst v63  }
0x4d: {  	_ =	swait.ge [sflag:s19], $0x100  }
0x4e: {  	[sflag:s19] =	ssyncset.done $0x0  }
0x4f: {  	[sflag:s19] =	ssyncadd.s32 $0xFFFFFF00  }
0x50: {  	[tilespmem:s22], [sflag:$0x1] =	stream.indirect.gather [hbm4b:s4+s21], $0x80, s20, s21, $0xb8;
	[tilespmem:$0x1A100] =	vst v63  }
0x51: {  	_ =	swait.ge [sflag:s23], $0x4000  }
0x52: {  	[sflag:s23] =	ssyncset.done $0x0  }
0x53: {  	[sflag:s23] =	ssyncadd.s32 $0xFFFFC000  }
0x54: {  	[spmem:s2] =	stream.indirect.scatter.add.f32 [tilespmem:s22], [sflag:$0x2], $0x80, s24, s21, $0xb8;
	[tilespmem:$0x1A100] =	vst v63  }
0x55: {  	_ =	swait.ge [sflag:s19], $0x4000  }
0x56: {  	s26 =	simm.s32 $0x20;
	s28 =	simm.s32 $0x40;
	[sflag:s19] =	ssyncset.done $0x0  }
.LBB2_4:
0x57: {  	s29 =	sadd.s32 s26, s17  }
0x58: {  	[sflag:s19] =	ssyncadd.s32 $0xFFFFC000;
	s26 =	smov.u32 s28;
	s30 =	sadd.s32 $0x20, s28  }
0x59: {  	[tilespmem:s20], [sflag:$0x2] =	stream.linear.gather [hbm4b:s29+s3], $0x100, $0x38;
	[tilespmem:$0x1A100] =	vst v63  }
0x5a: {  	p0 =	sne.s32 s28, $0x13E0;
	_ =	swait.ge [sflag:s19], $0x100  }
0x5b: {  	[sflag:s19] =	ssyncset.done $0x0  }
0x5c: {  	[sflag:s19] =	ssyncadd.s32 $0xFFFFFF00  }
0x5d: {  	[tilespmem:s22], [sflag:$0x1] =	stream.indirect.gather [hbm4b:s4+s21], $0x80, s20, s21, $0xb8;
	[tilespmem:$0x1A100] =	vst v63  }
0x5e: {  	_ =	swait.ge [sflag:s23], $0x4000  }
.Ltmp1:
0x5f: {  	[sflag:s23] =	ssyncset.done $0x0;
	(pc) =	sbr.rel @p0 .LBB2_4-.Ltmp1, $4  }
0x60: {  	[sflag:s23] =	ssyncadd.s32 $0xFFFFC000  }
0x61: {  	[spmem:s2] =	stream.indirect.scatter.add.f32 [tilespmem:s22], [sflag:$0x2], $0x80, s24, s21, $0xb8;
	[tilespmem:$0x1A100] =	vst v63  }
0x62: {  	_ =	swait.ge [sflag:s19], $0x4000  }
0x63: {  	s28 =	smov.u32 s30;
	[sflag:s19] =	ssyncset.done $0x0  }
0x64: {  	s26 =	sadd.s32 s26, s17;
	[sflag:s19] =	ssyncadd.s32 $0xFFFFC000  }
0x65: {  	[tilespmem:s20], [sflag:$0x2] =	stream.linear.gather [hbm4b:s26+s3], $0x100, $0x38;
	[tilespmem:$0x1A100] =	vst v63  }
0x66: {  	_ =	swait.ge [sflag:s19], $0x100  }
0x67: {  	[sflag:s19] =	ssyncset.done $0x0  }
0x68: {  	[sflag:s19] =	ssyncadd.s32 $0xFFFFFF00  }
0x69: {  	[tilespmem:s22], [sflag:$0x1] =	stream.indirect.gather [hbm4b:s4+s21], $0x80, s20, s21, $0xb8;
	[tilespmem:$0x1A100] =	vst v63  }
0x6a: {  	_ =	swait.ge [sflag:s23], $0x4000  }
0x6b: {  	[sflag:s23] =	ssyncset.done $0x0  }
0x6c: {  	[sflag:s23] =	ssyncadd.s32 $0xFFFFC000  }
0x6d: {  	[spmem:s2] =	stream.indirect.scatter.add.f32 [tilespmem:s22], [sflag:$0x2], $0x80, s24, s21, $0xb8;
	[tilespmem:$0x1A100] =	vst v63  }
0x6e: {  	_ =	swait.ge [sflag:s19], $0x4000  }
0x6f: {  	s31 =	sshll.u32 s0, $0x6;
	s25 =	sadd.s32 $0x1, s25;
	[sflag:s19] =	ssyncset.done $0x0  }
0x70: {  	s28 =	sshrl.u32 s5, $0x3;
	p0 =	sne.s32 s25, s7;
	[sflag:s19] =	ssyncadd.s32 $0xFFFFC000  }
.Ltmp2:
0x71: {  	s26 =	sor.u32 $0x1C02, s31;
	[bflag:$0x0] =	sbarrier.arrive $0xFFFF;
	(pc) =	sbr.rel @p0 .LBB2_1-.Ltmp2, $4  }
0x72: {  	[hbm:s6], [sflag:s26] =	dma.local [spmem:s28], $0x2800  }
0x73: {  	_ =	swait.ge [sflag:s19], $0x2800  }
0x74: {  	[sflag:s19] =	ssyncset.done $0x0  }
0x75: {  	[sflag:s19] =	ssyncadd.s32 $0xFFFFD800  }
0x76: {  	_ =	sfence.sel $0x180000  }
0x77: {  	[bflag:$0x0] =	sbarrier.arrive $0xFFFF  }
0x78: {  	p0 =	sne.s32 s0, $0x0;
	_ =	strace $0x9000004D  }
0x79: {  	s0 =	sadd.s32 @!p0 $0x100000, s1;
	[bflag:$0x2] =	sbarrier.arrive $0xFFFF  }
0x7a: {  	[sflag:s0] =	ssyncadd.tile.s32 @!p0 $0x1;
	_ =	shalt  }
.Lfunc_end2:
_tile_overlayer_lowered:
.L_overlay_start_2:
0x7b: {  	(tag) =	ssettag $0x2  }
0x7c: {  	s0 =	rddreg [dreg:$0x0];
	s2 =	stileid.u32  }
0x7d: {  	s1 =	rddreg [dreg:$0x1];
	p0 =	sne.s32 s2, $0x0  }
0x7e: {  	s3 =	rddreg [dreg:$0x2];
	[bflag:$0x3] =	sbarrier.arrive $0xFFFF;
	s2 =	simm.s32 @!p0 $0x1C02  }
0x7f: {  	[timem:s3], [sflag:s2] =	dma.local @!p0 [hbm:s0], s1  }
0x80: {  	s0 =	simm.s32 @!p0 $0x2  }
0x81: {  	_ =	swait.ge @!p0 [sflag:s0], s1  }
0x82: {  	s1 =	ssub.s32 @!p0 $0x0, s1;
	[sflag:s0] =	ssyncset.done @!p0 $0x0  }
0x83: {  	[sflag:s0] =	ssyncadd.s32 @!p0 s1  }
0x84: {  	[bflag:$0x3] =	sbarrier.arrive $0xFFFF  }
0x85: {  	_ =	shalt  }

// kernel: kernel.8.cloned.1.call-start
scs
__scs_entry_jumppad:
0x0: {  	(pc) =	sbr.rel $0x88, $3  }
0x1: {  	(tag) =	ssettag $0x0;
	lr =	simm.s32 $0x1  }
0x2: {  	[smem:$0x3F99] =	sst lr;
	_ =	strace $0xD0000000  }
0x3: {  	_ = 	snop  }
0x4: {  	_ = 	snop  }
0x5: {  	_ = 	snop  }
0x6: {  	_ = 	snop  }
0x7: {  	_ = 	snop  }
__scs_overlays_trampoline_lowered:
0x8: {  	[smem:$0x3FA8] =	sst s0  }
0x9: {  	[smem:$0x3FA9] =	sst s1  }
0xa: {  	[smem:$0x3FAA] =	sst s2  }
0xb: {  	[smem:$0x3FAB] =	sst s3  }
0xc: {  	[smem:$0x3FAC] =	sst s4  }
0xd: {  	[smem:$0x3FAD] =	sst s5  }
0xe: {  	[smem:$0x3FAE] =	sst s6  }
0xf: {  	[smem:$0x3FAF] =	sst s7  }
0x10: {  	[smem:$0x3FB0] =	sst s8  }
0x11: {  	[smem:$0x3FB1] =	sst s9;
	s0 =	simm.s32 @!p0 $0x0  }
0x12: {  	s1 =	sld [smem:$0x3F97];
	s0 =	simm.s32 @p0 $0x1  }
0x13: {  	[smem:$0x3FB2] =	sst s0;
	s0 =	simm.s32 @!p1 $0x0  }
0x14: {  	s2 =	sld [smem:$0x3F96];
	s0 =	simm.s32 @p1 $0x1  }
0x15: {  	[smem:$0x3FB3] =	sst s0;
	s0 =	simm.s32 @!p2 $0x0  }
0x16: {  	s3 =	sld [smem:$0x3FDB];
	s0 =	simm.s32 @p2 $0x1  }
0x17: {  	s4 =	simm.s32 $0x1BF5;
	[smem:$0x3FB5] =	sst s0  }
0x18: {  	s0 =	sld [smem:$0x3F98];
	_ =	swait.ge [sflag:s4], $0x0  }
0x19: {  	s7 =	sld [smem:$0x3F99]  }
0x1a: {  	s8 =	sadd.s32 $0xFFFFE003, lr  }
0x1b: {  	s9 =	sadd.s32 $0xFFFFFEF7, lr;
	s5 =	simm.s32 $0xFFFFFFFF;
	p2 =	slt.u32 s8, $0xFFFFF086  }
0x1c: {  	p1 =	slt.u32 s9, $0xF7A;
	s5 =	simm.s32 @!p2 $0x0  }
0x1d: {  	s5 =	simm.s32 @p1 $0x1;
	p0 =	seq.s32 s7, s2  }
0x1e: {  	s7 =	smul.u32 @!p0 $0xF7A, s2;
	p2 =	seq.s32 @!p0 s5, $0x0  }
0x1f: {  	s9 =	smul.u32 $0xF7A, s1;
	s8 =	simm.s32 @!p0 $0x1BF5;
	p2 =	por !p2, p0  }
0x20: {  	[sflag:s8] =	ssyncset.s32 @!p0 $0xFFFFF086;
	s6 =	sadd.s32 @!p0 s3, s7;
	s7 =	simm.s32 @!p0 $0x108  }
0x21: {  	s3 =	sadd.s32 s3, s9;
	s6 =	sadd.s32 @!p0 $0x88, s6;
	s7 =	simm.s32 @p2 $0x1082  }
0x22: {  	[simem:s7], [sflag:s8] =	dma.local @!p0 [hbm:s6], $0xF7A  }
0x23: {  	s9 =	sor.u32 $0xD0000000, s2;
	s6 =	simm.s32 $0x108;
	_ =	swait.ge @!p0 [sflag:s8], $0x0  }
0x24: {  	s3 =	sadd.s32 $0x88, s3;
	s6 =	simm.s32 @!p1 $0x1082;
	[sflag:s4] =	ssyncset.s32 $0xFFFFF086  }
0x25: {  	[simem:s6], [sflag:s4] =	dma.local [hbm:s3], $0xF7A  }
0x26: {  	[smem:$0x3F99] =	sst s1;
	(tag) =	ssettag s2;
	_ =	strace s9  }
0x27: {  	s1 =	sld [smem:$0x3FA9]  }
0x28: {  	s2 =	sld [smem:$0x3FAA]  }
0x29: {  	s4 =	sld [smem:$0x3FAC]  }
0x2a: {  	p0 =	seq.s32 s5, $0x0;
	s5 =	sld [smem:$0x3FAD]  }
0x2b: {  	s6 =	sld [smem:$0x3FAE]  }
0x2c: {  	s7 =	sld [smem:$0x3FAF]  }
0x2d: {  	s3 =	simm.s32 $0x108;
	s8 =	sld [smem:$0x3FB0]  }
0x2e: {  	s3 =	simm.s32 @!p0 $0x1082;
	s9 =	sld [smem:$0x3FB1]  }
0x2f: {  	lr =	sadd.s32 s0, s3;
	s0 =	sld [smem:$0x3FA8]  }
0x30: {  	s3 =	sld [smem:$0x3FAB]  }
0x31: {  	[smem:$0x3FB4] =	sst s10  }
0x32: {  	s10 =	sld [smem:$0x3FB2];
	_ =	sdelay $0x3  }
0x33: {  	p0 =	seq.s32 s10, $0x1;
	s10 =	sld [smem:$0x3FB4];
	_ =	sdelay $0x3  }
0x34: {  	[smem:$0x3FB4] =	sst s10  }
0x35: {  	s10 =	sld [smem:$0x3FB3];
	_ =	sdelay $0x3  }
0x36: {  	p1 =	seq.s32 s10, $0x1;
	s10 =	sld [smem:$0x3FB4];
	_ =	sdelay $0x3  }
0x37: {  	[smem:$0x3FB4] =	sst s10  }
0x38: {  	s10 =	sld [smem:$0x3FB5]  }
0x39: {  	_ = 	snop;
	(pc) =	sbr.ind lr, $3  }
0x3a: {  	_ = 	snop  }
0x3b: {  	_ = 	snop  }
0x3c: {  	p2 =	seq.s32 s10, $0x1;
	s10 =	sld [smem:$0x3FB4]  }
0x3d: {  	_ =	shalt  }
0x3e: {  	_ =	shalt  }
0x3f: {  	_ =	shalt  }
0x40: {  	_ =	shalt  }
0x41: {  	_ =	shalt  }
0x42: {  	_ =	shalt  }
0x43: {  	_ =	shalt  }
0x44: {  	_ =	shalt  }
0x45: {  	_ =	shalt  }
0x46: {  	_ =	shalt  }
0x47: {  	_ =	shalt  }
0x48: {  	_ =	shalt  }
0x49: {  	_ =	shalt  }
0x4a: {  	_ =	shalt  }
0x4b: {  	_ =	shalt  }
0x4c: {  	_ =	shalt  }
0x4d: {  	_ =	shalt  }
0x4e: {  	_ =	shalt  }
0x4f: {  	_ =	shalt  }
0x50: {  	_ =	shalt  }
0x51: {  	_ =	shalt  }
0x52: {  	_ =	shalt  }
0x53: {  	_ =	shalt  }
0x54: {  	_ =	shalt  }
0x55: {  	_ =	shalt  }
0x56: {  	_ =	shalt  }
0x57: {  	_ =	shalt  }
0x58: {  	_ =	shalt  }
0x59: {  	_ =	shalt  }
0x5a: {  	_ =	shalt  }
0x5b: {  	_ =	shalt  }
0x5c: {  	_ =	shalt  }
0x5d: {  	_ =	shalt  }
0x5e: {  	_ =	shalt  }
0x5f: {  	_ =	shalt  }
0x60: {  	_ =	shalt  }
0x61: {  	_ =	shalt  }
0x62: {  	_ =	shalt  }
0x63: {  	_ =	shalt  }
0x64: {  	_ =	shalt  }
0x65: {  	_ =	shalt  }
0x66: {  	_ =	shalt  }
0x67: {  	_ =	shalt  }
0x68: {  	_ =	shalt  }
0x69: {  	_ =	shalt  }
0x6a: {  	_ =	shalt  }
0x6b: {  	_ =	shalt  }
0x6c: {  	_ =	shalt  }
0x6d: {  	_ =	shalt  }
0x6e: {  	_ =	shalt  }
0x6f: {  	_ =	shalt  }
0x70: {  	_ =	shalt  }
0x71: {  	_ =	shalt  }
0x72: {  	_ =	shalt  }
0x73: {  	_ =	shalt  }
0x74: {  	_ =	shalt  }
0x75: {  	_ =	shalt  }
0x76: {  	_ =	shalt  }
0x77: {  	_ =	shalt  }
0x78: {  	_ =	shalt  }
0x79: {  	_ =	shalt  }
0x7a: {  	_ =	shalt  }
0x7b: {  	_ =	shalt  }
0x7c: {  	_ =	shalt  }
0x7d: {  	_ =	shalt  }
0x7e: {  	_ =	shalt  }
0x7f: {  	_ =	shalt  }
0x80: {  	_ =	shalt  }
0x81: {  	_ =	shalt  }
0x82: {  	_ =	shalt  }
0x83: {  	_ =	shalt  }
0x84: {  	_ =	shalt  }
0x85: {  	_ =	shalt  }
0x86: {  	_ =	shalt  }
0x87: {  	_ =	shalt  }
.Lfunc_end0:
.L_simem_size_0:
called_computation_lowered:
.L_overlay_start_0:
0x88: {  	s2 =	sld [smem:$0x3FD9]  }
0x89: {  	s3 =	sld [smem:$0x3FFE];
	_ =	sdelay $0x1  }
0x8a: {  	s1 =	srdreg.scid  }
0x8b: {  	s0 =	sand.u32 $0x1, s1  }
0x8c: {  	s16 =	sshll.u32 s0, $0xA;
	s2 =	sadd.s32 s3, s2  }
0x8d: {  	s2 =	sadd.s32 s2, s16  }
0x8e: {  	[smem:$0x3FC0] =	sst s2  }
0x8f: {  	_ = 	snop  }
0x90: {  	(tm) =	ssettm $0x1  }
0x91: {  	s17 =	sld [smem:$0x3FFB];
	_ =	sdelay $0x3  }
0x92: {  	_ =	strace s17  }
0x93: {  	s2 =	sld [smem:$0x3FFC];
	_ =	sdelay $0x3  }
0x94: {  	_ =	strace s2  }
0x95: {  	s2 =	sld [smem:$0x3FFD];
	_ =	sdelay $0x3  }
0x96: {  	_ =	strace s2  }
0x97: {  	_ =	strace $0x8FFFFFFF  }
0x98: {  	s18 =	sld [smem:$0x3FDB];
	_ =	sdelay $0x1  }
0x99: {  	s19 =	simm.s32 $_scs_section_size  }
0x9a: {  	s4 =	simm.s32 $_size__tile_overlayer_lowered;
	s5 =	simm.s32 $_tile_overlayer_lowered  }
0x9b: {  	s22 =	simm.s32 $0x1BFF;
	s21 =	sshll.u32 s5, $0x1;
	s2 =	sadd.s32 s19, s18  }
0x9c: {  	s6 =	simm.s32 $0x0;
	s20 =	sshll.u32 s4, $0x1;
	s4 =	sadd.s32 s21, s2  }
0x9d: {  	[timem:s6], [sflag:s22] =	dma.local [hbm:s4], s20  }
0x9e: {  	_ =	swait.ge [sflag:s22], s20  }
0x9f: {  	s3 =	ssub.s32 $0x0, s20;
	[sflag:s22] =	ssyncset.done $0x0  }
0xa0: {  	[sflag:s22] =	ssyncadd.s32 s3;
	_ =	sdelay $0x1  }
0xa1: {  	s23 =	simm.s32 $0x1B8B  }
0xa2: {  	_ =	swait.ge [sflag:s23], $0x1  }
0xa3: {  	[sflag:s23] =	ssyncset.done $0x0  }
0xa4: {  	s25 =	simm.s32 $0x1B8E;
	s24 =	sld [smem:$0x3FFE];
	[sflag:s23] =	ssyncadd.s32 $0xFFFFFFFF  }
0xa5: {  	s26 =	simm.s32 $execute0_lowered;
	[smem:$0x3FD2] =	sst s25  }
0xa6: {  	s4 =	sshll.u32 s26, $0x1;
	_ =	strace $0x80000046;
	[dreg:$0x1] =	wrdreg $0xFFFFFFFF  }
0xa7: {  	s28 =	simm.s32 $_size_execute0_lowered;
	s2 =	sadd.s32 s2, s4;
	[dreg:$0x0] =	wrdreg $0x0  }
0xa8: {  	s4 =	sshll.u32 s28, $0x1;
	[dreg:$0x2] =	wrdreg s2  }
0xa9: {  	[dreg:$0x3] =	wrdreg s4  }
0xaa: {  	[dreg:$0x4] =	wrdreg $0xC0  }
0xab: {  	_ =	task [dreg:s6], $0x5FFFF  }
0xac: {  	[dreg:$0x1] =	wrdreg $0xFFFFFFFF  }
0xad: {  	[dreg:$0x0] =	wrdreg $0x60  }
0xae: {  	[dreg:$0x2] =	wrdreg s24  }
0xaf: {  	[dreg:$0x3] =	wrdreg $0x0  }
0xb0: {  	[dreg:$0x4] =	wrdreg $0x9  }
0xb1: {  	_ =	task.clear_ibuf [dreg:s6], $0x5FFFF;
	_ =	strace $0x90000046  }
0xb2: {  	s29 =	simm.s32 $0x9;
	_ =	strace $0x80000048  }
0xb3: {  	_ =	swait.ge [sflag:s29], $0x1  }
0xb4: {  	[sflag:s29] =	ssyncadd.s32 $0xFFFFFFFF  }
0xb5: {  	_ =	strace $0x90000048  }
0xb6: {  	_ =	sfence  }
0xb7: {  	s30 =	sld [smem:$0x0];
	_ =	sdelay $0x2  }
0xb8: {  	s31 =	sshll.u32 s1, $0xD;
	s1 =	sshrl.u32 s1, $0x2  }
0xb9: {  	s3 =	sand.u32 $0x4000, s31;
	s1 =	sadd.s32 s1, s30  }
0xba: {  	s0 =	sor.u32 s3, s0;
	s1 =	sshll.u32 s1, $0x11  }
0xbb: {  	s0 =	sor.u32 s1, s0  }
0xbc: {  	s0 =	sadd.s32 $0x8F2B, s0  }
0xbd: {  	[sflag:s0] =	ssyncadd.remote.s32 $0x1  }
0xbe: {  	_ =	sfence.sel $0xFFFF  }
0xbf: {  	[dreg:$0x0] =	wrdreg $0xFFFFFFFF;
	(pc) =	sbr.abs _section_cstart, $3  }
0xc0: {  	[dreg:$0x1] =	wrdreg $0xFFFFFFFF  }
0xc1: {  	_ =	task.clear_ibuf [dreg:s6], $0x2FFFF;
	_ =	strace $0x9FFFFFFF  }
0xc2: {  	(tm) =	ssettm $0x7FFFFFFF  }
0xc3: {  	_ =	shalt  }
tec
execute0_lowered:
.L_overlay_start_1:
0x0: {  	(tag) =	ssettag $0x1  }
0x1: {  	s4 =	rddreg [dreg:$0x0]  }
0x2: {  	s1 =	rddreg [dreg:$0x1];
	s2 =	srdreg.scid  }
0x3: {  	s0 =	rddreg [dreg:$0x2];
	s3 =	simm.s32 $0x0;
	s5 =	sand.u32 $0x1, s2  }
0x4: {  	s17 =	simm.s32 $0x6880;
	s2 =	stileid.u32;
	s6 =	smul.u32 $0x140000, s5  }
0x5: {  	s18 =	simm.s32 $0x1;
	s19 =	simm.s32 $0x2800;
	s7 =	smul.u32 $0x14000, s2  }
0x6: {  	s20 =	simm.s32 $0x80;
	s21 =	simm.s32 $0x2880;
	s8 =	smul.u32 $0xA000, s5  }
0x7: {  	s22 =	simm.s32 $0x0;
	[smem:$0x7FF] =	sst s3;
	s29 =	smul.u32 $0x50000, s2  }
0x8: {  	_ =	strace $0x80000047;
	s5 =	ssub.s32 $0x2, s5;
	s15 =	smul.u32 $0xA00, s2  }
0x9: {  	s30 =	sshrl.u32 s5, $0x1;
	s6 =	sadd.s32 s7, s6;
	s14 =	sadd.s32 s8, s4  }
0xa: {  	s8 =	ssub.s32 s5, s30;
	s31 =	sshrl.u32 s29, $0x2;
	s6 =	sshrl.u32 s6, $0x3  }
0xb: {  	s16 =	sadd.s32 s15, s14;
	s6 =	sadd.s32 s6, s4;
	s4 =	sadd.s32 s31, s1  }
0xc: {  	s16 =	sadd.s32 $0x3200, s16;
	s5 =	sadd.s32 $0x2B200, s6;
	s6 =	smax.u32 s8, $0x1  }
0xd: {  	s7 =	sadd.s32 $0x2000, s4;
	s8 =	sadd.s32 $0x4000, s4;
	s9 =	sadd.s32 $0x6000, s4  }
0xe: {  	s10 =	sadd.s32 $0x8000, s4;
	s11 =	sadd.s32 $0xA000, s4;
	s12 =	sadd.s32 $0xC000, s4  }
0xf: {  	v0 =	vimm.f32 $0.0e+00;
	v1 =	vimm.f32 $1.000000000e+00;
	s13 =	sadd.s32 $0xE000, s4;
	s14 =	sadd.s32 $0x10000, s4;
	s15 =	sadd.s32 $0x12000, s4  }
.LBB2_1:
0x10: {  	s23 =	simm.s32 $0x0  }
.LBB2_2:
0x11: {  	p0 =	sne.s32 s23, $0x7E00  }
.Ltmp0:
0x12: {  	_ = 	snop;
	(pc) =	sbr.rel @p0 .LBB2_2-.Ltmp0, $3  }
0x13: {  	_ =	sdelay $0x1  }
0x14: {  	s24 =	sshra.s32 s23, $0x2  }
0x15: {  	s23 =	sadd.s32 $0x200, s23;
	[tilespmem:s24+$0x6880] =	vst v0  }
0x16: {  	s23 =	simm.s32 $0x200;
	s24 =	simm.s32 $0x0  }
.LBB2_4:
0x17: {  	p0 =	sne.s32 s23, $0xFE00;
	[tilespmem:s24+$0x2880] =	vst v1;
	s24 =	smov.u32 s23;
	s23 =	sadd.s32 $0x200, s23  }
.Ltmp1:
0x18: {  	(pc) =	sbr.rel @p0 .LBB2_4-.Ltmp1, $2  }
0x19: {  	_ =	sdelay $0x2  }
0x1a: {  	s24 =	sshra.s32 s24, $0x2  }
0x1b: {  	[tilespmem:s24+$0x2880] =	vst v1  }
0x1c: {  	[spmem:s4] =	stream.linear.scatter [tilespmem:s17], [sflag:$0x1], $0x2000, $0x38;
	[tilespmem:$0x8880] =	vst v63  }
0x1d: {  	_ =	swait.ge [sflag:s18], $0x2000  }
0x1e: {  	[sflag:s18] =	ssyncset.done $0x0  }
0x1f: {  	[sflag:s18] =	ssyncadd.s32 $0xFFFFE000  }
0x20: {  	[spmem:s7] =	stream.linear.scatter [tilespmem:s17], [sflag:$0x1], $0x2000, $0x38;
	[tilespmem:$0x8880] =	vst v63  }
0x21: {  	_ =	swait.ge [sflag:s18], $0x2000  }
0x22: {  	[sflag:s18] =	ssyncset.done $0x0  }
0x23: {  	[sflag:s18] =	ssyncadd.s32 $0xFFFFE000  }
0x24: {  	[spmem:s8] =	stream.linear.scatter [tilespmem:s17], [sflag:$0x1], $0x2000, $0x38;
	[tilespmem:$0x8880] =	vst v63  }
0x25: {  	_ =	swait.ge [sflag:s18], $0x2000  }
0x26: {  	[sflag:s18] =	ssyncset.done $0x0  }
0x27: {  	[sflag:s18] =	ssyncadd.s32 $0xFFFFE000  }
0x28: {  	[spmem:s9] =	stream.linear.scatter [tilespmem:s17], [sflag:$0x1], $0x2000, $0x38;
	[tilespmem:$0x8880] =	vst v63  }
0x29: {  	_ =	swait.ge [sflag:s18], $0x2000  }
0x2a: {  	[sflag:s18] =	ssyncset.done $0x0  }
0x2b: {  	[sflag:s18] =	ssyncadd.s32 $0xFFFFE000  }
0x2c: {  	[spmem:s10] =	stream.linear.scatter [tilespmem:s17], [sflag:$0x1], $0x2000, $0x38;
	[tilespmem:$0x8880] =	vst v63  }
0x2d: {  	_ =	swait.ge [sflag:s18], $0x2000  }
0x2e: {  	[sflag:s18] =	ssyncset.done $0x0  }
0x2f: {  	[sflag:s18] =	ssyncadd.s32 $0xFFFFE000  }
0x30: {  	[spmem:s11] =	stream.linear.scatter [tilespmem:s17], [sflag:$0x1], $0x2000, $0x38;
	[tilespmem:$0x8880] =	vst v63  }
0x31: {  	_ =	swait.ge [sflag:s18], $0x2000  }
0x32: {  	[sflag:s18] =	ssyncset.done $0x0  }
0x33: {  	[sflag:s18] =	ssyncadd.s32 $0xFFFFE000  }
0x34: {  	[spmem:s12] =	stream.linear.scatter [tilespmem:s17], [sflag:$0x1], $0x2000, $0x38;
	[tilespmem:$0x8880] =	vst v63  }
0x35: {  	_ =	swait.ge [sflag:s18], $0x2000  }
0x36: {  	[sflag:s18] =	ssyncset.done $0x0  }
0x37: {  	[sflag:s18] =	ssyncadd.s32 $0xFFFFE000  }
0x38: {  	[spmem:s13] =	stream.linear.scatter [tilespmem:s17], [sflag:$0x1], $0x2000, $0x38;
	[tilespmem:$0x8880] =	vst v63  }
0x39: {  	_ =	swait.ge [sflag:s18], $0x2000  }
0x3a: {  	[sflag:s18] =	ssyncset.done $0x0  }
0x3b: {  	[sflag:s18] =	ssyncadd.s32 $0xFFFFE000  }
0x3c: {  	[spmem:s14] =	stream.linear.scatter [tilespmem:s17], [sflag:$0x1], $0x2000, $0x38;
	[tilespmem:$0x8880] =	vst v63  }
0x3d: {  	_ =	swait.ge [sflag:s18], $0x2000  }
0x3e: {  	[sflag:s18] =	ssyncset.done $0x0  }
0x3f: {  	[sflag:s18] =	ssyncadd.s32 $0xFFFFE000  }
0x40: {  	[spmem:s15] =	stream.linear.scatter [tilespmem:s17], [sflag:$0x1], $0x2000, $0x38;
	[tilespmem:$0x8880] =	vst v63  }
0x41: {  	_ =	swait.ge [sflag:s18], $0x2000  }
0x42: {  	[sflag:s18] =	ssyncset.done $0x0  }
0x43: {  	[sflag:s18] =	ssyncadd.s32 $0xFFFFE000  }
0x44: {  	s23 =	sadd.s32 $0x10, s16;
	[bflag:$0x0] =	sbarrier.arrive $0xFFFF  }
0x45: {  	[tilespmem:s19], [sflag:$0x1] =	stream.linear.gather [hbm4b:s23+s3], $0x80, $0x38;
	[tilespmem:$0x8880] =	vst v63  }
0x46: {  	_ =	swait.ge [sflag:s18], $0x80  }
0x47: {  	[sflag:s18] =	ssyncset.done $0x0  }
0x48: {  	[sflag:s18] =	ssyncadd.s32 $0xFFFFFF80  }
0x49: {  	[spmem:s1] =	stream.indirect.scatter.add.f32 [tilespmem:s21], [sflag:$0x1], $0x10, s19, s20, $0xb8;
	[tilespmem:$0x8880] =	vst v63  }
0x4a: {  	_ =	swait.ge [sflag:s18], $0x800  }
0x4b: {  	s24 =	simm.s32 $0x50;
	s23 =	simm.s32 $0x30;
	[sflag:s18] =	ssyncset.done $0x0  }
.LBB2_6:
0x4c: {  	s25 =	sadd.s32 s23, s16  }
0x4d: {  	[sflag:s18] =	ssyncadd.s32 $0xFFFFF800;
	s23 =	smov.u32 s24;
	s26 =	sadd.s32 $0x20, s24  }
0x4e: {  	[tilespmem:s19], [sflag:$0x1] =	stream.linear.gather [hbm4b:s25+s3], $0x80, $0x38;
	[tilespmem:$0x8880] =	vst v63  }
0x4f: {  	p0 =	sne.s32 s24, $0x9F0;
	_ =	swait.ge [sflag:s18], $0x80  }
.Ltmp2:
0x50: {  	[sflag:s18] =	ssyncset.done $0x0;
	(pc) =	sbr.rel @p0 .LBB2_6-.Ltmp2, $4  }
0x51: {  	[sflag:s18] =	ssyncadd.s32 $0xFFFFFF80  }
0x52: {  	[spmem:s1] =	stream.indirect.scatter.add.f32 [tilespmem:s21], [sflag:$0x1], $0x10, s19, s20, $0xb8;
	[tilespmem:$0x8880] =	vst v63  }
0x53: {  	_ =	swait.ge [sflag:s18], $0x800  }
0x54: {  	s24 =	smov.u32 s26;
	[sflag:s18] =	ssyncset.done $0x0  }
0x55: {  	s23 =	sadd.s32 s23, s16;
	[sflag:s18] =	ssyncadd.s32 $0xFFFFF800  }
0x56: {  	[tilespmem:s19], [sflag:$0x1] =	stream.linear.gather [hbm4b:s23+s3], $0x80, $0x38;
	[tilespmem:$0x8880] =	vst v63  }
0x57: {  	_ =	swait.ge [sflag:s18], $0x80  }
0x58: {  	[sflag:s18] =	ssyncset.done $0x0  }
0x59: {  	[sflag:s18] =	ssyncadd.s32 $0xFFFFFF80  }
0x5a: {  	[spmem:s1] =	stream.indirect.scatter.add.f32 [tilespmem:s21], [sflag:$0x1], $0x10, s19, s20, $0xb8;
	[tilespmem:$0x8880] =	vst v63  }
0x5b: {  	_ =	swait.ge [sflag:s18], $0x800  }
0x5c: {  	s31 =	sshll.u32 s2, $0x6;
	s22 =	sadd.s32 $0x1, s22;
	[sflag:s18] =	ssyncset.done $0x0  }
0x5d: {  	s24 =	sshrl.u32 s4, $0x3;
	p0 =	sne.s32 s22, s6;
	[sflag:s18] =	ssyncadd.s32 $0xFFFFF800  }
.Ltmp3:
0x5e: {  	s23 =	sor.u32 $0x1C01, s31;
	[bflag:$0x0] =	sbarrier.arrive $0xFFFF;
	(pc) =	sbr.rel @p0 .LBB2_1-.Ltmp3, $4  }
0x5f: {  	[hbm:s5], [sflag:s23] =	dma.local [spmem:s24], $0x2800  }
0x60: {  	_ =	swait.ge [sflag:s18], $0x2800  }
0x61: {  	[sflag:s18] =	ssyncset.done $0x0  }
0x62: {  	[sflag:s18] =	ssyncadd.s32 $0xFFFFD800  }
0x63: {  	_ =	sfence.sel $0x180000  }
0x64: {  	[bflag:$0x0] =	sbarrier.arrive $0xFFFF  }
0x65: {  	p0 =	sne.s32 s2, $0x0;
	_ =	strace $0x90000047  }
0x66: {  	s0 =	sadd.s32 @!p0 $0x100000, s0;
	[bflag:$0x2] =	sbarrier.arrive $0xFFFF  }
0x67: {  	[sflag:s0] =	ssyncadd.tile.s32 @!p0 $0x1;
	_ =	shalt  }
.Lfunc_end2:
_tile_overlayer_lowered:
.L_overlay_start_2:
0x68: {  	(tag) =	ssettag $0x2  }
0x69: {  	s0 =	rddreg [dreg:$0x0];
	s2 =	stileid.u32  }
0x6a: {  	s1 =	rddreg [dreg:$0x1];
	p0 =	sne.s32 s2, $0x0  }
0x6b: {  	s3 =	rddreg [dreg:$0x2];
	[bflag:$0x3] =	sbarrier.arrive $0xFFFF;
	s2 =	simm.s32 @!p0 $0x1C01  }
0x6c: {  	[timem:s3], [sflag:s2] =	dma.local @!p0 [hbm:s0], s1  }
0x6d: {  	s0 =	simm.s32 @!p0 $0x1  }
0x6e: {  	_ =	swait.ge @!p0 [sflag:s0], s1  }
0x6f: {  	s1 =	ssub.s32 @!p0 $0x0, s1;
	[sflag:s0] =	ssyncset.done @!p0 $0x0  }
0x70: {  	[sflag:s0] =	ssyncadd.s32 @!p0 s1  }
0x71: {  	[bflag:$0x3] =	sbarrier.arrive $0xFFFF  }
0x72: {  	_ =	shalt  }

</sc_bundles>
